<compile_context>
chip_gen: v7x
topology: tpu7x:2x2x1
jax: 0.10.2.dev20260603
libtpu: 0.0.44.dev20260713+nightly
codegen_flags: <defaults>
</compile_context>

<pallas_src>
import functools

import jax
import jax.numpy as jnp
from jax.experimental import pallas as pl
from jax.experimental.pallas import tpu as pltpu

_R2 = 0.25
_KMAX = 128
_LN_EPS = 1e-5
_BITER = 14
_BR = 128
_CH = 2048
_BLK_PREP = 512
_AUGC = 256
_XMARGIN = 0.65


def _prep_body(x_ref, p8_ref, w1_ref, w38_ref, b_ref,
               acaug_ref, acbf_ref, va_ref, bc_ref, vb_ref):
    d = x_ref.shape[1]
    p8 = p8_ref[:]
    bm = jnp.dot(p8, w38_ref[:], preferred_element_type=jnp.float32)
    a = jnp.dot(x_ref[:], w1_ref[:], preferred_element_type=jnp.float32)
    a = a + bm + b_ref[:]
    mu = jnp.mean(a, axis=1, keepdims=True)
    acv = a - mu
    acb = acv.astype(jnp.bfloat16)
    acbf_ref[:] = acb
    acaug_ref[:] = jnp.concatenate(
        [acb, jnp.ones_like(acb[:, :1]),
         jnp.zeros_like(acb[:, : _AUGC - d - 1])], axis=1)
    va_ref[:] = jnp.mean(acv * acv, axis=1, keepdims=True)
    mub = jnp.mean(bm, axis=1, keepdims=True)
    bcv = bm - mub
    bc_ref[:] = bcv
    vb_ref[:] = jnp.mean(bcv * bcv, axis=1, keepdims=True)


def _main_body(n_real, br, npad, d, nch,
               flags_ref, pb_ref, posT_ref, acaug_ref, acTbf_ref, va_ref,
               bc_ref, vb_ref, gam_ref, bet_ref, out_ref,
               d2_ref, pc_ref, s1_ref, cn_ref, hi_ref):
    i = pl.program_id(0)
    pb = pb_ref[:]
    sq_blk = jnp.sum(pb * pb, axis=1, keepdims=True)
    kf = jnp.float32(_KMAX + 1)
    pc_ref[:] = jnp.zeros_like(pc_ref)

    for c in range(nch):
        @pl.when(flags_ref[i, c] != 0)
        def _(c=c):
            pT = posT_ref[:, c * _CH:(c + 1) * _CH]
            sq_row = jnp.sum(pT * pT, axis=0, keepdims=True)
            d2c = sq_blk + sq_row - 2.0 * jnp.dot(
                pb, pT, preferred_element_type=jnp.float32)
            colc = jax.lax.broadcasted_iota(jnp.int32, (br, _CH), 1) + c * _CH
            rowc = jax.lax.broadcasted_iota(jnp.int32, (br, _CH), 0) + i * br
            d2c = jnp.where(colc == rowc, jnp.float32(-1e9), d2c)
            d2_ref[:, c * _CH:(c + 1) * _CH] = d2c
            pc_ref[:, c:c + 1] = jnp.sum(
                (d2c <= jnp.float32(_R2)).astype(jnp.float32),
                axis=1, keepdims=True)

    cnt0 = jnp.sum(pc_ref[:], axis=1, keepdims=True)
    hi_ref[:] = jnp.full((br, 1), _R2, jnp.float32)

    @pl.when(jnp.max(cnt0) >= kf)
    def _search():
        def bs_body(_, carry):
            lo, hi = carry
            mid = 0.5 * (lo + hi)
            for c in range(nch):
                @pl.when(flags_ref[i, c] != 0)
                def _(c=c):
                    pc_ref[:, c:c + 1] = jnp.sum(
                        (d2_ref[:, c * _CH:(c + 1) * _CH] <= mid).astype(
                            jnp.float32), axis=1, keepdims=True)
            cnt = jnp.sum(pc_ref[:], axis=1, keepdims=True)
            ge = cnt >= kf
            return (jnp.where(ge, lo, mid), jnp.where(ge, mid, hi))

        lo0 = jnp.full((br, 1), -1e-3, jnp.float32)
        hi0 = jnp.full((br, 1), _R2, jnp.float32)
        _, hi = jax.lax.fori_loop(0, _BITER, bs_body, (lo0, hi0))
        hi_ref[:] = hi

    hi = hi_ref[:]
    s1_ref[:] = jnp.zeros_like(s1_ref)
    cn_ref[:] = jnp.zeros_like(cn_ref)
    bcb = bc_ref[:].astype(jnp.bfloat16)
    for c in range(nch):
        @pl.when(flags_ref[i, c] != 0)
        def _(c=c):
            gch = jnp.dot(bcb, acTbf_ref[:, c * _CH:(c + 1) * _CH],
                          preferred_element_type=jnp.float32)
            maskc = d2_ref[:, c * _CH:(c + 1) * _CH] <= hi
            cn_ref[:] = cn_ref[:] + jnp.sum(
                maskc.astype(jnp.float32), axis=1, keepdims=True)
            varc = (va_ref[:, c * _CH:(c + 1) * _CH] + vb_ref[:]
                    - (2.0 / d) * gch)
            wc = jnp.where(maskc, jax.lax.rsqrt(varc + _LN_EPS),
                           0.0).astype(jnp.bfloat16)
            s1_ref[:] = s1_ref[:] + jnp.dot(
                wc, acaug_ref[c * _CH:(c + 1) * _CH, :],
                preferred_element_type=jnp.float32)

    s1 = s1_ref[:, :d]
    s0 = s1_ref[:, d:d + 1]
    cnt = cn_ref[:]
    o = (s1 - s0 * bc_ref[:]) * (gam_ref[:] / jnp.maximum(cnt, 1.0)) + bet_ref[:]
    out_ref[:] = jnp.maximum(o, 0.0)


def kernel(x, pos, batch, W, b, gamma, beta):
    n, d = x.shape
    lcm = max(_BLK_PREP, _CH, _BR)
    npad = ((n + lcm - 1) // lcm) * lcm
    nex = npad - n
    perm = jnp.argsort(pos[:, 0])
    inv = jnp.argsort(perm)
    x = x[perm]
    pos = pos[perm]
    xp = jnp.pad(x, ((0, nex), (0, 0)))
    far = 1000.0 + 100.0 * jnp.arange(nex, dtype=jnp.float32)
    p_pad = jnp.concatenate([pos, jnp.broadcast_to(far[:, None], (nex, 3))], 0)
    p8 = jnp.pad(p_pad, ((0, 0), (0, 5)))
    posT = p8.T
    w1 = W[:d]
    w38 = jnp.pad(W[d:], ((0, 5), (0, 0)))
    b_row = b.reshape(1, d)
    gam = gamma.reshape(1, d)
    bet = beta.reshape(1, d)

    xsp = p_pad[:, 0]
    bmin = xsp[::_BR]
    bmax = xsp[_BR - 1::_BR]
    cmin = xsp[::_CH]
    cmax = xsp[_CH - 1::_CH]
    lim = jnp.float32(0.5 + _XMARGIN)
    flags = ((cmin[None, :] <= bmax[:, None] + lim)
             & (cmax[None, :] >= bmin[:, None] - lim)).astype(jnp.int32)

    acaug, acbf, va, bc, vb = pl.pallas_call(
        _prep_body,
        grid=(npad // _BLK_PREP,),
        in_specs=[
            pl.BlockSpec((_BLK_PREP, d), lambda i: (i, 0)),
            pl.BlockSpec((_BLK_PREP, 8), lambda i: (i, 0)),
            pl.BlockSpec((d, d), lambda i: (0, 0)),
            pl.BlockSpec((8, d), lambda i: (0, 0)),
            pl.BlockSpec((1, d), lambda i: (0, 0)),
        ],
        out_specs=[
            pl.BlockSpec((_BLK_PREP, _AUGC), lambda i: (i, 0)),
            pl.BlockSpec((_BLK_PREP, d), lambda i: (i, 0)),
            pl.BlockSpec((_BLK_PREP, 1), lambda i: (i, 0)),
            pl.BlockSpec((_BLK_PREP, d), lambda i: (i, 0)),
            pl.BlockSpec((_BLK_PREP, 1), lambda i: (i, 0)),
        ],
        out_shape=[
            jax.ShapeDtypeStruct((npad, _AUGC), jnp.bfloat16),
            jax.ShapeDtypeStruct((npad, d), jnp.bfloat16),
            jax.ShapeDtypeStruct((npad, 1), jnp.float32),
            jax.ShapeDtypeStruct((npad, d), jnp.float32),
            jax.ShapeDtypeStruct((npad, 1), jnp.float32),
        ],
    )(xp, p8, w1, w38, b_row)

    acTbf = acbf.T
    va_row = va.reshape(1, npad)
    nch = npad // _CH

    out = pl.pallas_call(
        functools.partial(_main_body, n, _BR, npad, d, nch),
        grid_spec=pltpu.PrefetchScalarGridSpec(
            num_scalar_prefetch=1,
            grid=(npad // _BR,),
            in_specs=[
                pl.BlockSpec((_BR, 8), lambda i, f: (i, 0)),
                pl.BlockSpec((8, npad), lambda i, f: (0, 0)),
                pl.BlockSpec((npad, _AUGC), lambda i, f: (0, 0)),
                pl.BlockSpec((d, npad), lambda i, f: (0, 0)),
                pl.BlockSpec((1, npad), lambda i, f: (0, 0)),
                pl.BlockSpec((_BR, d), lambda i, f: (i, 0)),
                pl.BlockSpec((_BR, 1), lambda i, f: (i, 0)),
                pl.BlockSpec((1, d), lambda i, f: (0, 0)),
                pl.BlockSpec((1, d), lambda i, f: (0, 0)),
            ],
            out_specs=pl.BlockSpec((_BR, d), lambda i, f: (i, 0)),
            scratch_shapes=[
                pltpu.VMEM((_BR, npad), jnp.float32),
                pltpu.VMEM((_BR, 128), jnp.float32),
                pltpu.VMEM((_BR, _AUGC), jnp.float32),
                pltpu.VMEM((_BR, 1), jnp.float32),
                pltpu.VMEM((_BR, 1), jnp.float32),
            ],
        ),
        out_shape=jax.ShapeDtypeStruct((npad, d), jnp.float32),
    )(flags, p8, posT, acaug, acTbf, va_row, bc, vb, gam, bet)

    return out[:n][inv]

# --- scband reference (transcript-rebuilt; emitter-appended) ---
"""Pipeline reference for scband-point-net-74732430950647 (READ-ONLY COPY).

The authoritative reference and input builder live on the scoring server;
editing this copy changes nothing except your own understanding.
"""

import jax, jax.numpy as jnp
import numpy as np

R = 0.5
K = 128
N = 10000
D = 128
D_OUT = 128
LN_EPS = 1e-5


def setup_inputs(seed: int = 0) -> dict:
    key = jax.random.key(seed)
    k1, k2, k3 = jax.random.split(key, 3)
    x = jax.random.normal(k1, (N, D), dtype=jnp.float32)
    pos = jax.random.normal(k2, (N, 3), dtype=jnp.float32)
    batch = jnp.zeros((N,), dtype=jnp.int32)
    # local_nn = Linear(D+3 -> D_OUT) + LayerNorm(D_OUT)
    W = jax.random.normal(k3, (D + 3, D_OUT), dtype=jnp.float32) / jnp.sqrt(jnp.float32(D + 3))
    b = jnp.zeros((D_OUT,), dtype=jnp.float32)
    gamma = jnp.ones((D_OUT,), dtype=jnp.float32)
    beta = jnp.zeros((D_OUT,), dtype=jnp.float32)
    return {"x": x, "pos": pos, "batch": batch, "W": W, "b": b, "gamma": gamma, "beta": beta}


def _radius_graph(pos, batch, r, k):
    # torch_cluster.radius(x=pos, y=pos, r, max_num_neighbors=k) followed by
    # remove_self_loops; self loops are re-added by the caller.
    n = pos.shape[0]
    sq = jnp.sum(pos * pos, axis=1)
    d2 = sq[:, None] + sq[None, :] - 2.0 * (pos @ pos.T)
    same = batch[:, None] == batch[None, :]
    eye = jnp.eye(n, dtype=bool)
    mask = (d2 <= r * r) & same & (~eye)
    neg = jnp.where(mask, -d2, -jnp.inf)
    vals, idx = jax.lax.top_k(neg, k)
    valid = vals > -jnp.inf
    src = idx.reshape(-1)
    dst = jnp.repeat(jnp.arange(n, dtype=jnp.int32), k)
    return src.astype(jnp.int32), dst, valid.reshape(-1)


def reference(x, pos, batch, W, b, gamma, beta):
    n = pos.shape[0]
    src, dst, valid = _radius_graph(pos, batch, R, K)
    # add_self_loops
    loop = jnp.arange(n, dtype=jnp.int32)
    src = jnp.concatenate([src, loop])
    dst = jnp.concatenate([dst, loop])
    valid = jnp.concatenate([valid, jnp.ones((n,), dtype=bool)])
    # message: cat([x_j, pos_j - pos_i]) -> Linear -> LayerNorm
    rel = pos[src] - pos[dst]
    h = x[src] @ W[:D] + rel @ W[D:] + b
    mu = jnp.mean(h, axis=1, keepdims=True)
    var = jnp.mean((h - mu) ** 2, axis=1, keepdims=True)
    h = (h - mu) / jnp.sqrt(var + LN_EPS) * gamma + beta
    # mean aggregation over valid edges
    vf = valid.astype(jnp.float32)
    h = h * vf[:, None]
    out = jax.ops.segment_sum(h, dst, num_segments=n)
    cnt = jax.ops.segment_sum(vf, dst, num_segments=n)
    out = out / jnp.maximum(cnt, 1.0)[:, None]
    # global_nn: ReLU + Dropout(0.1) (eval mode -> identity)
    out = jax.nn.relu(out)
    return out

if __name__ == "__main__":
    import jax
    _d = setup_inputs()
    print(jax.jit(kernel)(*tuple(_d.values())))

</pallas_src>

<mosaic_0001>
module attributes {stable_mosaic.version = 14 : i64} {
  func.func @_prep_body(%arg0: i32, %arg1: memref<512x128xf32, #tpu.memory_space<vmem>>, %arg2: memref<512x8xf32, #tpu.memory_space<vmem>>, %arg3: memref<128x128xf32, #tpu.memory_space<vmem>>, %arg4: memref<8x128xf32, #tpu.memory_space<vmem>>, %arg5: memref<1x128xf32, #tpu.memory_space<vmem>>, %arg6: memref<512x256xbf16, #tpu.memory_space<vmem>>, %arg7: memref<512x128xbf16, #tpu.memory_space<vmem>>, %arg8: memref<512x1xf32, #tpu.memory_space<vmem>>, %arg9: memref<512x128xf32, #tpu.memory_space<vmem>>, %arg10: memref<512x1xf32, #tpu.memory_space<vmem>>) attributes {dimension_semantics = [#tpu.dimension_semantics<arbitrary>], iteration_bounds = array<i64: 20>, scalar_prefetch = 0 : i64, scratch_operands = 0 : i64, tpu.core_type = #tpu.core_type<tc>, window_params = [{transform_indices = @transform_0, window_bounds = array<i64: 512, 128>}, {transform_indices = @transform_1, window_bounds = array<i64: 512, 8>}, {pipeline_mode = #tpu.pipeline_mode<synchronous>, transform_indices = @transform_2, window_bounds = array<i64: 128, 128>}, {pipeline_mode = #tpu.pipeline_mode<synchronous>, transform_indices = @transform_3, window_bounds = array<i64: 8, 128>}, {pipeline_mode = #tpu.pipeline_mode<synchronous>, transform_indices = @transform_4, window_bounds = array<i64: 1, 128>}, {transform_indices = @transform_5, window_bounds = array<i64: 512, 256>}, {transform_indices = @transform_6, window_bounds = array<i64: 512, 128>}, {transform_indices = @transform_7, window_bounds = array<i64: 512, 1>}, {transform_indices = @transform_8, window_bounds = array<i64: 512, 128>}, {transform_indices = @transform_9, window_bounds = array<i64: 512, 1>}]} {
    %get3A = arith.constant 0 : index
    %get3A_0 = arith.constant 0 : index
    %get3A_1 = vector.load %arg2[%get3A, %get3A_0] : memref<512x8xf32, #tpu.memory_space<vmem>>, vector<512x8xf32>
    %get3A_2 = arith.constant 0 : index
    %get3A_3 = arith.constant 0 : index
    %get3A_4 = vector.load %arg4[%get3A_2, %get3A_3] : memref<8x128xf32, #tpu.memory_space<vmem>>, vector<8x128xf32>
    %dot_general3A = arith.constant dense<0.000000e+00> : vector<512x128xf32>
    %dot_general3A_5 = tpu.matmul %get3A_1, %get3A_4, %dot_general3A {dimension_numbers = #tpu.dot_dimension_numbers<[1], [0], [0], [1], [0, 0, 1, 1], [], []>, transpose_lhs_hint = false} : vector<512x8xf32>, vector<8x128xf32>, vector<512x128xf32> -> vector<512x128xf32>
    %get3A_6 = arith.constant 0 : index
    %get3A_7 = arith.constant 0 : index
    %get3A_8 = vector.load %arg1[%get3A_6, %get3A_7] : memref<512x128xf32, #tpu.memory_space<vmem>>, vector<512x128xf32>
    %get3A_9 = arith.constant 0 : index
    %get3A_10 = arith.constant 0 : index
    %get3A_11 = vector.load %arg3[%get3A_9, %get3A_10] : memref<128x128xf32, #tpu.memory_space<vmem>>, vector<128x128xf32>
    %dot_general3A_12 = arith.constant dense<0.000000e+00> : vector<512x128xf32>
    %dot_general3A_13 = tpu.matmul %get3A_8, %get3A_11, %dot_general3A_12 {dimension_numbers = #tpu.dot_dimension_numbers<[1], [0], [0], [1], [0, 0, 1, 1], [], []>, transpose_lhs_hint = false} : vector<512x128xf32>, vector<128x128xf32>, vector<512x128xf32> -> vector<512x128xf32>
    %add3A = arith.addf %dot_general3A_13, %dot_general3A_5 : vector<512x128xf32>
    %get3A_14 = arith.constant 0 : index
    %get3A_15 = arith.constant 0 : index
    %get3A_16 = vector.load %arg5[%get3A_14, %get3A_15] : memref<1x128xf32, #tpu.memory_space<vmem>>, vector<1x128xf32>
    %add3A_17 = vector.broadcast %get3A_16 : vector<1x128xf32> to vector<512x128xf32>
    %add3A_18 = arith.addf %add3A, %add3A_17 : vector<512x128xf32>
    %reduce_sum3A = arith.constant dense<0.000000e+00> : vector<512xf32>
    %reduce_sum3A_19 = vector.multi_reduction <add>, %add3A_18, %reduce_sum3A [1] : vector<512x128xf32> to vector<512xf32>
    %broadcast_in_dim3A = vector.shape_cast %reduce_sum3A_19 : vector<512xf32> to vector<512x1xf32>
    %div3A = arith.constant 1.280000e+02 : f32
    %div3A_20 = vector.broadcast %div3A : f32 to vector<512x1xf32>
    %div3A_21 = arith.divf %broadcast_in_dim3A, %div3A_20 : vector<512x1xf32>
    %sub3A = vector.broadcast %div3A_21 : vector<512x1xf32> to vector<512x128xf32>
    %sub3A_22 = arith.subf %add3A_18, %sub3A : vector<512x128xf32>
    %convert_element_type3A = arith.truncf %sub3A_22 : vector<512x128xf32> to vector<512x128xbf16>
    %swap3A = arith.constant 0 : index
    %swap3A_23 = arith.constant 0 : index
    %swap3A_24 = vector.load %arg7[%swap3A, %swap3A_23] : memref<512x128xbf16, #tpu.memory_space<vmem>>, vector<512x128xbf16>
    tpu.vector_store %arg7[%swap3A, %swap3A_23], %convert_element_type3A {strides = array<i32>} : memref<512x128xbf16, #tpu.memory_space<vmem>>, vector<512x128xbf16>,
    %broadcast_in_dim3A_25 = arith.constant 1.000000e+00 : bf16
    %broadcast_in_dim3A_26 = vector.broadcast %broadcast_in_dim3A_25 : bf16 to vector<512x1xbf16>
    %broadcast_in_dim3A_27 = arith.constant 0.000000e+00 : bf16
    %broadcast_in_dim3A_28 = vector.broadcast %broadcast_in_dim3A_27 : bf16 to vector<512x127xbf16>
    %concatenate3A = tpu.concatenate %convert_element_type3A, %broadcast_in_dim3A_26, %broadcast_in_dim3A_28 in 1 : vector<512x128xbf16>, vector<512x1xbf16>, vector<512x127xbf16> -> vector<512x256xbf16>
    %swap3A_29 = arith.constant 0 : index
    %swap3A_30 = arith.constant 0 : index
    %swap3A_31 = vector.load %arg6[%swap3A_29, %swap3A_30] : memref<512x256xbf16, #tpu.memory_space<vmem>>, vector<512x256xbf16>
    tpu.vector_store %arg6[%swap3A_29, %swap3A_30], %concatenate3A {strides = array<i32>} : memref<512x256xbf16, #tpu.memory_space<vmem>>, vector<512x256xbf16>,
    %mul3A = arith.mulf %sub3A_22, %sub3A_22 : vector<512x128xf32>
    %reduce_sum3A_32 = arith.constant dense<0.000000e+00> : vector<512xf32>
    %reduce_sum3A_33 = vector.multi_reduction <add>, %mul3A, %reduce_sum3A_32 [1] : vector<512x128xf32> to vector<512xf32>
    %broadcast_in_dim3A_34 = vector.shape_cast %reduce_sum3A_33 : vector<512xf32> to vector<512x1xf32>
    %div3A_35 = arith.constant 1.280000e+02 : f32
    %div3A_36 = vector.broadcast %div3A_35 : f32 to vector<512x1xf32>
    %div3A_37 = arith.divf %broadcast_in_dim3A_34, %div3A_36 : vector<512x1xf32>
    %swap3A_38 = arith.constant 0 : index
    %swap3A_39 = arith.constant 0 : index
    %swap3A_40 = vector.load %arg8[%swap3A_38, %swap3A_39] : memref<512x1xf32, #tpu.memory_space<vmem>>, vector<512x1xf32>
    tpu.vector_store %arg8[%swap3A_38, %swap3A_39], %div3A_37 {strides = array<i32>} : memref<512x1xf32, #tpu.memory_space<vmem>>, vector<512x1xf32>,
    %reduce_sum3A_41 = arith.constant dense<0.000000e+00> : vector<512xf32>
    %reduce_sum3A_42 = vector.multi_reduction <add>, %dot_general3A_5, %reduce_sum3A_41 [1] : vector<512x128xf32> to vector<512xf32>
    %broadcast_in_dim3A_43 = vector.shape_cast %reduce_sum3A_42 : vector<512xf32> to vector<512x1xf32>
    %div3A_44 = arith.constant 1.280000e+02 : f32
    %div3A_45 = vector.broadcast %div3A_44 : f32 to vector<512x1xf32>
    %div3A_46 = arith.divf %broadcast_in_dim3A_43, %div3A_45 : vector<512x1xf32>
    %sub3A_47 = vector.broadcast %div3A_46 : vector<512x1xf32> to vector<512x128xf32>
    %sub3A_48 = arith.subf %dot_general3A_5, %sub3A_47 : vector<512x128xf32>
    %swap3A_49 = arith.constant 0 : index
    %swap3A_50 = arith.constant 0 : index
    %swap3A_51 = vector.load %arg9[%swap3A_49, %swap3A_50] : memref<512x128xf32, #tpu.memory_space<vmem>>, vector<512x128xf32>
    tpu.vector_store %arg9[%swap3A_49, %swap3A_50], %sub3A_48 {strides = array<i32>} : memref<512x128xf32, #tpu.memory_space<vmem>>, vector<512x128xf32>,
    %mul3A_52 = arith.mulf %sub3A_48, %sub3A_48 : vector<512x128xf32>
    %reduce_sum3A_53 = arith.constant dense<0.000000e+00> : vector<512xf32>
    %reduce_sum3A_54 = vector.multi_reduction <add>, %mul3A_52, %reduce_sum3A_53 [1] : vector<512x128xf32> to vector<512xf32>
    %broadcast_in_dim3A_55 = vector.shape_cast %reduce_sum3A_54 : vector<512xf32> to vector<512x1xf32>
    %div3A_56 = arith.constant 1.280000e+02 : f32
    %div3A_57 = vector.broadcast %div3A_56 : f32 to vector<512x1xf32>
    %div3A_58 = arith.divf %broadcast_in_dim3A_55, %div3A_57 : vector<512x1xf32>
    %swap3A_59 = arith.constant 0 : index
    %swap3A_60 = arith.constant 0 : index
    %swap3A_61 = vector.load %arg10[%swap3A_59, %swap3A_60] : memref<512x1xf32, #tpu.memory_space<vmem>>, vector<512x1xf32>
    tpu.vector_store %arg10[%swap3A_59, %swap3A_60], %div3A_58 {strides = array<i32>} : memref<512x1xf32, #tpu.memory_space<vmem>>, vector<512x1xf32>,
    return
  }
  func.func @transform_0(%arg0: i32) -> (i32, i32) {
    %c0_i32 = arith.constant 0 : i32
    %c0_i32_0 = arith.constant 0 : i32
    return %arg0, %c0_i32 : i32, i32
  }
  func.func @transform_1(%arg0: i32) -> (i32, i32) {
    %c0_i32 = arith.constant 0 : i32
    %c0_i32_0 = arith.constant 0 : i32
    return %arg0, %c0_i32 : i32, i32
  }
  func.func @transform_2(%arg0: i32) -> (i32, i32) {
    %c0_i32 = arith.constant 0 : i32
    %c0_i32_0 = arith.constant 0 : i32
    %c0_i32_1 = arith.constant 0 : i32
    return %c0_i32, %c0_i32_0 : i32, i32
  }
  func.func @transform_3(%arg0: i32) -> (i32, i32) {
    %c0_i32 = arith.constant 0 : i32
    %c0_i32_0 = arith.constant 0 : i32
    %c0_i32_1 = arith.constant 0 : i32
    return %c0_i32, %c0_i32_0 : i32, i32
  }
  func.func @transform_4(%arg0: i32) -> (i32, i32) {
    %c0_i32 = arith.constant 0 : i32
    %c0_i32_0 = arith.constant 0 : i32
    %c0_i32_1 = arith.constant 0 : i32
    return %c0_i32, %c0_i32_0 : i32, i32
  }
  func.func @transform_5(%arg0: i32) -> (i32, i32) {
    %c0_i32 = arith.constant 0 : i32
    %c0_i32_0 = arith.constant 0 : i32
    return %arg0, %c0_i32 : i32, i32
  }
  func.func @transform_6(%arg0: i32) -> (i32, i32) {
    %c0_i32 = arith.constant 0 : i32
    %c0_i32_0 = arith.constant 0 : i32
    return %arg0, %c0_i32 : i32, i32
  }
  func.func @transform_7(%arg0: i32) -> (i32, i32) {
    %c0_i32 = arith.constant 0 : i32
    %c0_i32_0 = arith.constant 0 : i32
    return %arg0, %c0_i32 : i32, i32
  }
  func.func @transform_8(%arg0: i32) -> (i32, i32) {
    %c0_i32 = arith.constant 0 : i32
    %c0_i32_0 = arith.constant 0 : i32
    return %arg0, %c0_i32 : i32, i32
  }
  func.func @transform_9(%arg0: i32) -> (i32, i32) {
    %c0_i32 = arith.constant 0 : i32
    %c0_i32_0 = arith.constant 0 : i32
    return %arg0, %c0_i32 : i32, i32
  }
}

module attributes {stable_mosaic.version = 14 : i64} {
  func.func @_main_body(%arg0: i32, %arg1: memref<80x5xi32, #tpu.memory_space<smem>>, %arg2: memref<128x8xf32, #tpu.memory_space<vmem>>, %arg3: memref<8x10240xf32, #tpu.memory_space<vmem>>, %arg4: memref<10240x256xbf16, #tpu.memory_space<vmem>>, %arg5: memref<128x10240xbf16, #tpu.memory_space<vmem>>, %arg6: memref<1x10240xf32, #tpu.memory_space<vmem>>, %arg7: memref<128x128xf32, #tpu.memory_space<vmem>>, %arg8: memref<128x1xf32, #tpu.memory_space<vmem>>, %arg9: memref<1x128xf32, #tpu.memory_space<vmem>>, %arg10: memref<1x128xf32, #tpu.memory_space<vmem>>, %arg11: memref<128x128xf32, #tpu.memory_space<vmem>>, %arg12: memref<128x10240xf32, #tpu.memory_space<vmem>>, %arg13: memref<128x128xf32, #tpu.memory_space<vmem>>, %arg14: memref<128x256xf32, #tpu.memory_space<vmem>>, %arg15: memref<128x1xf32, #tpu.memory_space<vmem>>, %arg16: memref<128x1xf32, #tpu.memory_space<vmem>>) attributes {dimension_semantics = [#tpu.dimension_semantics<arbitrary>], iteration_bounds = array<i64: 80>, scalar_prefetch = 1 : i64, scratch_operands = 5 : i64, tpu.core_type = #tpu.core_type<tc>, window_params = [{transform_indices = @transform_0, window_bounds = array<i64: 128, 8>}, {pipeline_mode = #tpu.pipeline_mode<synchronous>, transform_indices = @transform_1, window_bounds = array<i64: 8, 10240>}, {pipeline_mode = #tpu.pipeline_mode<synchronous>, transform_indices = @transform_2, window_bounds = array<i64: 10240, 256>}, {pipeline_mode = #tpu.pipeline_mode<synchronous>, transform_indices = @transform_3, window_bounds = array<i64: 128, 10240>}, {pipeline_mode = #tpu.pipeline_mode<synchronous>, transform_indices = @transform_4, window_bounds = array<i64: 1, 10240>}, {transform_indices = @transform_5, window_bounds = array<i64: 128, 128>}, {transform_indices = @transform_6, window_bounds = array<i64: 128, 1>}, {pipeline_mode = #tpu.pipeline_mode<synchronous>, transform_indices = @transform_7, window_bounds = array<i64: 1, 128>}, {pipeline_mode = #tpu.pipeline_mode<synchronous>, transform_indices = @transform_8, window_bounds = array<i64: 1, 128>}, {transform_indices = @transform_9, window_bounds = array<i64: 128, 128>}]} {
    %get3A = arith.constant 0 : index
    %get3A_0 = arith.constant 0 : index
    %get3A_1 = vector.load %arg2[%get3A, %get3A_0] : memref<128x8xf32, #tpu.memory_space<vmem>>, vector<128x8xf32>
    %mul3A = arith.mulf %get3A_1, %get3A_1 : vector<128x8xf32>
    %reduce_sum3A = arith.constant dense<0.000000e+00> : vector<128xf32>
    %reduce_sum3A_2 = vector.multi_reduction <add>, %mul3A, %reduce_sum3A [1] : vector<128x8xf32> to vector<128xf32>
    %broadcast_in_dim3A = vector.shape_cast %reduce_sum3A_2 : vector<128xf32> to vector<128x1xf32>
    %broadcast_in_dim3A_3 = arith.constant 0.000000e+00 : f32
    %broadcast_in_dim3A_4 = vector.broadcast %broadcast_in_dim3A_3 : f32 to vector<128x128xf32>
    %swap3A = arith.constant 0 : index
    %swap3A_5 = arith.constant 0 : index
    %swap3A_6 = vector.load %arg13[%swap3A, %swap3A_5] : memref<128x128xf32, #tpu.memory_space<vmem>>, vector<128x128xf32>
    tpu.vector_store %arg13[%swap3A, %swap3A_5], %broadcast_in_dim3A_4 {strides = array<i32>} : memref<128x128xf32, #tpu.memory_space<vmem>>, vector<128x128xf32>,
    %get3A_7 = arith.index_cast %arg0 : i32 to index
    %get3A_8 = arith.constant 0 : index
    %get3A_9 = memref.load %arg1[%get3A_7, %get3A_8] : memref<80x5xi32, #tpu.memory_space<smem>>
    %ne3A = arith.constant 0 : i32
    %ne3A_10 = arith.cmpi ne, %get3A_9, %ne3A : i32
    %convert_element_type3A = arith.extui %ne3A_10 : i1 to i32
    %cond3A = arith.constant 0 : i32
    %cond3A_11 = arith.cmpi ne, %convert_element_type3A, %cond3A : i32
    scf.if %cond3A_11 {
      %get3A_153 = arith.constant 0 : index
      %get3A_154 = arith.constant 0 : index
      %get3A_155 = vector.load %arg3[%get3A_153, %get3A_154] : memref<8x10240xf32, #tpu.memory_space<vmem>>, vector<8x2048xf32>
      %mul3A_156 = arith.mulf %get3A_155, %get3A_155 : vector<8x2048xf32>
      %reduce_sum3A_157 = arith.constant dense<0.000000e+00> : vector<2048xf32>
      %reduce_sum3A_158 = vector.multi_reduction <add>, %mul3A_156, %reduce_sum3A_157 [0] : vector<8x2048xf32> to vector<2048xf32>
      %broadcast_in_dim3A_159 = vector.shape_cast %reduce_sum3A_158 : vector<2048xf32> to vector<1x2048xf32>
      %add3A_160 = vector.broadcast %broadcast_in_dim3A : vector<128x1xf32> to vector<128x2048xf32>
      %add3A_161 = vector.broadcast %broadcast_in_dim3A_159 : vector<1x2048xf32> to vector<128x2048xf32>
      %add3A_162 = arith.addf %add3A_160, %add3A_161 : vector<128x2048xf32>
      %dot_general3A = arith.constant dense<0.000000e+00> : vector<128x2048xf32>
      %dot_general3A_163 = tpu.matmul %get3A_1, %get3A_155, %dot_general3A {dimension_numbers = #tpu.dot_dimension_numbers<[1], [0], [0], [1], [0, 0, 1, 1], [], []>, transpose_lhs_hint = false} : vector<128x8xf32>, vector<8x2048xf32>, vector<128x2048xf32> -> vector<128x2048xf32>
      %mul3A_164 = arith.constant 2.000000e+00 : f32
      %mul3A_165 = vector.broadcast %mul3A_164 : f32 to vector<128x2048xf32>
      %mul3A_166 = arith.mulf %mul3A_165, %dot_general3A_163 : vector<128x2048xf32>
      %sub3A_167 = arith.subf %add3A_162, %mul3A_166 : vector<128x2048xf32>
      %iota3A = tpu.iota {dimensions = array<i32: 1>} : vector<128x2048xi32>
      %add3A_168 = arith.constant 0 : i32
      %add3A_169 = vector.broadcast %add3A_168 : i32 to vector<128x2048xi32>
      %add3A_170 = arith.addi %iota3A, %add3A_169 : vector<128x2048xi32>
      %iota3A_171 = tpu.iota {dimensions = array<i32: 0>} : vector<128x2048xi32>
      %mul3A_172 = arith.constant 128 : i32
      %mul3A_173 = arith.muli %arg0, %mul3A_172 : i32
      %add3A_174 = vector.broadcast %mul3A_173 : i32 to vector<128x2048xi32>
      %add3A_175 = arith.addi %iota3A_171, %add3A_174 : vector<128x2048xi32>
      %eq3A = arith.cmpi eq, %add3A_170, %add3A_175 : vector<128x2048xi32>
      %jit3A = arith.constant -1.000000e+09 : f32
      %broadcast_in_dim3A_176 = vector.broadcast %jit3A : f32 to vector<128x2048xf32>
      %select_n3A = arith.select %eq3A, %broadcast_in_dim3A_176, %sub3A_167 : vector<128x2048xi1>, vector<128x2048xf32>
      %swap3A_177 = arith.constant 0 : index
      %swap3A_178 = arith.constant 0 : index
      %swap3A_179 = vector.load %arg12[%swap3A_177, %swap3A_178] : memref<128x10240xf32, #tpu.memory_space<vmem>>, vector<128x2048xf32>
      tpu.vector_store %arg12[%swap3A_177, %swap3A_178], %select_n3A {strides = array<i32>} : memref<128x10240xf32, #tpu.memory_space<vmem>>, vector<128x2048xf32>,
      %le3A = arith.constant 2.500000e-01 : f32
      %le3A_180 = vector.broadcast %le3A : f32 to vector<128x2048xf32>
      %le3A_181 = arith.cmpf ole, %select_n3A, %le3A_180 : vector<128x2048xf32>
      %convert_element_type3A_182 = arith.extui %le3A_181 : vector<128x2048xi1> to vector<128x2048xi32>
      %convert_element_type3A_183 = arith.sitofp %convert_element_type3A_182 : vector<128x2048xi32> to vector<128x2048xf32>
      %reduce_sum3A_184 = arith.constant dense<0.000000e+00> : vector<128xf32>
      %reduce_sum3A_185 = vector.multi_reduction <add>, %convert_element_type3A_183, %reduce_sum3A_184 [1] : vector<128x2048xf32> to vector<128xf32>
      %broadcast_in_dim3A_186 = vector.shape_cast %reduce_sum3A_185 : vector<128xf32> to vector<128x1xf32>
      %swap3A_187 = arith.constant 0 : index
      %swap3A_188 = arith.constant 0 : index
      %swap3A_189 = vector.load %arg13[%swap3A_187, %swap3A_188] : memref<128x128xf32, #tpu.memory_space<vmem>>, vector<128x1xf32>
      tpu.vector_store %arg13[%swap3A_187, %swap3A_188], %broadcast_in_dim3A_186 {strides = array<i32>} : memref<128x128xf32, #tpu.memory_space<vmem>>, vector<128x1xf32>,
    } else {
    }
    %get3A_12 = arith.index_cast %arg0 : i32 to index
    %get3A_13 = arith.constant 1 : index
    %get3A_14 = memref.load %arg1[%get3A_12, %get3A_13] : memref<80x5xi32, #tpu.memory_space<smem>>
    %ne3A_15 = arith.constant 0 : i32
    %ne3A_16 = arith.cmpi ne, %get3A_14, %ne3A_15 : i32
    %convert_element_type3A_17 = arith.extui %ne3A_16 : i1 to i32
    %cond3A_18 = arith.constant 0 : i32
    %cond3A_19 = arith.cmpi ne, %convert_element_type3A_17, %cond3A_18 : i32
    scf.if %cond3A_19 {
      %get3A_153 = arith.constant 0 : index
      %get3A_154 = arith.constant 2048 : index
      %get3A_155 = vector.load %arg3[%get3A_153, %get3A_154] : memref<8x10240xf32, #tpu.memory_space<vmem>>, vector<8x2048xf32>
      %mul3A_156 = arith.mulf %get3A_155, %get3A_155 : vector<8x2048xf32>
      %reduce_sum3A_157 = arith.constant dense<0.000000e+00> : vector<2048xf32>
      %reduce_sum3A_158 = vector.multi_reduction <add>, %mul3A_156, %reduce_sum3A_157 [0] : vector<8x2048xf32> to vector<2048xf32>
      %broadcast_in_dim3A_159 = vector.shape_cast %reduce_sum3A_158 : vector<2048xf32> to vector<1x2048xf32>
      %add3A_160 = vector.broadcast %broadcast_in_dim3A : vector<128x1xf32> to vector<128x2048xf32>
      %add3A_161 = vector.broadcast %broadcast_in_dim3A_159 : vector<1x2048xf32> to vector<128x2048xf32>
      %add3A_162 = arith.addf %add3A_160, %add3A_161 : vector<128x2048xf32>
      %dot_general3A = arith.constant dense<0.000000e+00> : vector<128x2048xf32>
      %dot_general3A_163 = tpu.matmul %get3A_1, %get3A_155, %dot_general3A {dimension_numbers = #tpu.dot_dimension_numbers<[1], [0], [0], [1], [0, 0, 1, 1], [], []>, transpose_lhs_hint = false} : vector<128x8xf32>, vector<8x2048xf32>, vector<128x2048xf32> -> vector<128x2048xf32>
      %mul3A_164 = arith.constant 2.000000e+00 : f32
      %mul3A_165 = vector.broadcast %mul3A_164 : f32 to vector<128x2048xf32>
      %mul3A_166 = arith.mulf %mul3A_165, %dot_general3A_163 : vector<128x2048xf32>
      %sub3A_167 = arith.subf %add3A_162, %mul3A_166 : vector<128x2048xf32>
      %iota3A = tpu.iota {dimensions = array<i32: 1>} : vector<128x2048xi32>
      %add3A_168 = arith.constant 2048 : i32
      %add3A_169 = vector.broadcast %add3A_168 : i32 to vector<128x2048xi32>
      %add3A_170 = arith.addi %iota3A, %add3A_169 : vector<128x2048xi32>
      %iota3A_171 = tpu.iota {dimensions = array<i32: 0>} : vector<128x2048xi32>
      %mul3A_172 = arith.constant 128 : i32
      %mul3A_173 = arith.muli %arg0, %mul3A_172 : i32
      %add3A_174 = vector.broadcast %mul3A_173 : i32 to vector<128x2048xi32>
      %add3A_175 = arith.addi %iota3A_171, %add3A_174 : vector<128x2048xi32>
      %eq3A = arith.cmpi eq, %add3A_170, %add3A_175 : vector<128x2048xi32>
      %jit3A = arith.constant -1.000000e+09 : f32
      %broadcast_in_dim3A_176 = vector.broadcast %jit3A : f32 to vector<128x2048xf32>
      %select_n3A = arith.select %eq3A, %broadcast_in_dim3A_176, %sub3A_167 : vector<128x2048xi1>, vector<128x2048xf32>
      %swap3A_177 = arith.constant 0 : index
      %swap3A_178 = arith.constant 2048 : index
      %swap3A_179 = vector.load %arg12[%swap3A_177, %swap3A_178] : memref<128x10240xf32, #tpu.memory_space<vmem>>, vector<128x2048xf32>
      tpu.vector_store %arg12[%swap3A_177, %swap3A_178], %select_n3A {strides = array<i32>} : memref<128x10240xf32, #tpu.memory_space<vmem>>, vector<128x2048xf32>,
      %le3A = arith.constant 2.500000e-01 : f32
      %le3A_180 = vector.broadcast %le3A : f32 to vector<128x2048xf32>
      %le3A_181 = arith.cmpf ole, %select_n3A, %le3A_180 : vector<128x2048xf32>
      %convert_element_type3A_182 = arith.extui %le3A_181 : vector<128x2048xi1> to vector<128x2048xi32>
      %convert_element_type3A_183 = arith.sitofp %convert_element_type3A_182 : vector<128x2048xi32> to vector<128x2048xf32>
      %reduce_sum3A_184 = arith.constant dense<0.000000e+00> : vector<128xf32>
      %reduce_sum3A_185 = vector.multi_reduction <add>, %convert_element_type3A_183, %reduce_sum3A_184 [1] : vector<128x2048xf32> to vector<128xf32>
      %broadcast_in_dim3A_186 = vector.shape_cast %reduce_sum3A_185 : vector<128xf32> to vector<128x1xf32>
      %swap3A_187 = arith.constant 0 : index
      %swap3A_188 = arith.constant 1 : index
      %swap3A_189 = vector.load %arg13[%swap3A_187, %swap3A_188] : memref<128x128xf32, #tpu.memory_space<vmem>>, vector<128x1xf32>
      tpu.vector_store %arg13[%swap3A_187, %swap3A_188], %broadcast_in_dim3A_186 {strides = array<i32>} : memref<128x128xf32, #tpu.memory_space<vmem>>, vector<128x1xf32>,
    } else {
    }
    %get3A_20 = arith.index_cast %arg0 : i32 to index
    %get3A_21 = arith.constant 2 : index
    %get3A_22 = memref.load %arg1[%get3A_20, %get3A_21] : memref<80x5xi32, #tpu.memory_space<smem>>
    %ne3A_23 = arith.constant 0 : i32
    %ne3A_24 = arith.cmpi ne, %get3A_22, %ne3A_23 : i32
    %convert_element_type3A_25 = arith.extui %ne3A_24 : i1 to i32
    %cond3A_26 = arith.constant 0 : i32
    %cond3A_27 = arith.cmpi ne, %convert_element_type3A_25, %cond3A_26 : i32
    scf.if %cond3A_27 {
      %get3A_153 = arith.constant 0 : index
      %get3A_154 = arith.constant 4096 : index
      %get3A_155 = vector.load %arg3[%get3A_153, %get3A_154] : memref<8x10240xf32, #tpu.memory_space<vmem>>, vector<8x2048xf32>
      %mul3A_156 = arith.mulf %get3A_155, %get3A_155 : vector<8x2048xf32>
      %reduce_sum3A_157 = arith.constant dense<0.000000e+00> : vector<2048xf32>
      %reduce_sum3A_158 = vector.multi_reduction <add>, %mul3A_156, %reduce_sum3A_157 [0] : vector<8x2048xf32> to vector<2048xf32>
      %broadcast_in_dim3A_159 = vector.shape_cast %reduce_sum3A_158 : vector<2048xf32> to vector<1x2048xf32>
      %add3A_160 = vector.broadcast %broadcast_in_dim3A : vector<128x1xf32> to vector<128x2048xf32>
      %add3A_161 = vector.broadcast %broadcast_in_dim3A_159 : vector<1x2048xf32> to vector<128x2048xf32>
      %add3A_162 = arith.addf %add3A_160, %add3A_161 : vector<128x2048xf32>
      %dot_general3A = arith.constant dense<0.000000e+00> : vector<128x2048xf32>
      %dot_general3A_163 = tpu.matmul %get3A_1, %get3A_155, %dot_general3A {dimension_numbers = #tpu.dot_dimension_numbers<[1], [0], [0], [1], [0, 0, 1, 1], [], []>, transpose_lhs_hint = false} : vector<128x8xf32>, vector<8x2048xf32>, vector<128x2048xf32> -> vector<128x2048xf32>
      %mul3A_164 = arith.constant 2.000000e+00 : f32
      %mul3A_165 = vector.broadcast %mul3A_164 : f32 to vector<128x2048xf32>
      %mul3A_166 = arith.mulf %mul3A_165, %dot_general3A_163 : vector<128x2048xf32>
      %sub3A_167 = arith.subf %add3A_162, %mul3A_166 : vector<128x2048xf32>
      %iota3A = tpu.iota {dimensions = array<i32: 1>} : vector<128x2048xi32>
      %add3A_168 = arith.constant 4096 : i32
      %add3A_169 = vector.broadcast %add3A_168 : i32 to vector<128x2048xi32>
      %add3A_170 = arith.addi %iota3A, %add3A_169 : vector<128x2048xi32>
      %iota3A_171 = tpu.iota {dimensions = array<i32: 0>} : vector<128x2048xi32>
      %mul3A_172 = arith.constant 128 : i32
      %mul3A_173 = arith.muli %arg0, %mul3A_172 : i32
      %add3A_174 = vector.broadcast %mul3A_173 : i32 to vector<128x2048xi32>
      %add3A_175 = arith.addi %iota3A_171, %add3A_174 : vector<128x2048xi32>
      %eq3A = arith.cmpi eq, %add3A_170, %add3A_175 : vector<128x2048xi32>
      %jit3A = arith.constant -1.000000e+09 : f32
      %broadcast_in_dim3A_176 = vector.broadcast %jit3A : f32 to vector<128x2048xf32>
      %select_n3A = arith.select %eq3A, %broadcast_in_dim3A_176, %sub3A_167 : vector<128x2048xi1>, vector<128x2048xf32>
      %swap3A_177 = arith.constant 0 : index
      %swap3A_178 = arith.constant 4096 : index
      %swap3A_179 = vector.load %arg12[%swap3A_177, %swap3A_178] : memref<128x10240xf32, #tpu.memory_space<vmem>>, vector<128x2048xf32>
      tpu.vector_store %arg12[%swap3A_177, %swap3A_178], %select_n3A {strides = array<i32>} : memref<128x10240xf32, #tpu.memory_space<vmem>>, vector<128x2048xf32>,
      %le3A = arith.constant 2.500000e-01 : f32
      %le3A_180 = vector.broadcast %le3A : f32 to vector<128x2048xf32>
      %le3A_181 = arith.cmpf ole, %select_n3A, %le3A_180 : vector<128x2048xf32>
      %convert_element_type3A_182 = arith.extui %le3A_181 : vector<128x2048xi1> to vector<128x2048xi32>
      %convert_element_type3A_183 = arith.sitofp %convert_element_type3A_182 : vector<128x2048xi32> to vector<128x2048xf32>
      %reduce_sum3A_184 = arith.constant dense<0.000000e+00> : vector<128xf32>
      %reduce_sum3A_185 = vector.multi_reduction <add>, %convert_element_type3A_183, %reduce_sum3A_184 [1] : vector<128x2048xf32> to vector<128xf32>
      %broadcast_in_dim3A_186 = vector.shape_cast %reduce_sum3A_185 : vector<128xf32> to vector<128x1xf32>
      %swap3A_187 = arith.constant 0 : index
      %swap3A_188 = arith.constant 2 : index
      %swap3A_189 = vector.load %arg13[%swap3A_187, %swap3A_188] : memref<128x128xf32, #tpu.memory_space<vmem>>, vector<128x1xf32>
      tpu.vector_store %arg13[%swap3A_187, %swap3A_188], %broadcast_in_dim3A_186 {strides = array<i32>} : memref<128x128xf32, #tpu.memory_space<vmem>>, vector<128x1xf32>,
    } else {
    }
    %get3A_28 = arith.index_cast %arg0 : i32 to index
    %get3A_29 = arith.constant 3 : index
    %get3A_30 = memref.load %arg1[%get3A_28, %get3A_29] : memref<80x5xi32, #tpu.memory_space<smem>>
    %ne3A_31 = arith.constant 0 : i32
    %ne3A_32 = arith.cmpi ne, %get3A_30, %ne3A_31 : i32
    %convert_element_type3A_33 = arith.extui %ne3A_32 : i1 to i32
    %cond3A_34 = arith.constant 0 : i32
    %cond3A_35 = arith.cmpi ne, %convert_element_type3A_33, %cond3A_34 : i32
    scf.if %cond3A_35 {
      %get3A_153 = arith.constant 0 : index
      %get3A_154 = arith.constant 6144 : index
      %get3A_155 = vector.load %arg3[%get3A_153, %get3A_154] : memref<8x10240xf32, #tpu.memory_space<vmem>>, vector<8x2048xf32>
      %mul3A_156 = arith.mulf %get3A_155, %get3A_155 : vector<8x2048xf32>
      %reduce_sum3A_157 = arith.constant dense<0.000000e+00> : vector<2048xf32>
      %reduce_sum3A_158 = vector.multi_reduction <add>, %mul3A_156, %reduce_sum3A_157 [0] : vector<8x2048xf32> to vector<2048xf32>
      %broadcast_in_dim3A_159 = vector.shape_cast %reduce_sum3A_158 : vector<2048xf32> to vector<1x2048xf32>
      %add3A_160 = vector.broadcast %broadcast_in_dim3A : vector<128x1xf32> to vector<128x2048xf32>
      %add3A_161 = vector.broadcast %broadcast_in_dim3A_159 : vector<1x2048xf32> to vector<128x2048xf32>
      %add3A_162 = arith.addf %add3A_160, %add3A_161 : vector<128x2048xf32>
      %dot_general3A = arith.constant dense<0.000000e+00> : vector<128x2048xf32>
      %dot_general3A_163 = tpu.matmul %get3A_1, %get3A_155, %dot_general3A {dimension_numbers = #tpu.dot_dimension_numbers<[1], [0], [0], [1], [0, 0, 1, 1], [], []>, transpose_lhs_hint = false} : vector<128x8xf32>, vector<8x2048xf32>, vector<128x2048xf32> -> vector<128x2048xf32>
      %mul3A_164 = arith.constant 2.000000e+00 : f32
      %mul3A_165 = vector.broadcast %mul3A_164 : f32 to vector<128x2048xf32>
      %mul3A_166 = arith.mulf %mul3A_165, %dot_general3A_163 : vector<128x2048xf32>
      %sub3A_167 = arith.subf %add3A_162, %mul3A_166 : vector<128x2048xf32>
      %iota3A = tpu.iota {dimensions = array<i32: 1>} : vector<128x2048xi32>
      %add3A_168 = arith.constant 6144 : i32
      %add3A_169 = vector.broadcast %add3A_168 : i32 to vector<128x2048xi32>
      %add3A_170 = arith.addi %iota3A, %add3A_169 : vector<128x2048xi32>
      %iota3A_171 = tpu.iota {dimensions = array<i32: 0>} : vector<128x2048xi32>
      %mul3A_172 = arith.constant 128 : i32
      %mul3A_173 = arith.muli %arg0, %mul3A_172 : i32
      %add3A_174 = vector.broadcast %mul3A_173 : i32 to vector<128x2048xi32>
      %add3A_175 = arith.addi %iota3A_171, %add3A_174 : vector<128x2048xi32>
      %eq3A = arith.cmpi eq, %add3A_170, %add3A_175 : vector<128x2048xi32>
      %jit3A = arith.constant -1.000000e+09 : f32
      %broadcast_in_dim3A_176 = vector.broadcast %jit3A : f32 to vector<128x2048xf32>
      %select_n3A = arith.select %eq3A, %broadcast_in_dim3A_176, %sub3A_167 : vector<128x2048xi1>, vector<128x2048xf32>
      %swap3A_177 = arith.constant 0 : index
      %swap3A_178 = arith.constant 6144 : index
      %swap3A_179 = vector.load %arg12[%swap3A_177, %swap3A_178] : memref<128x10240xf32, #tpu.memory_space<vmem>>, vector<128x2048xf32>
      tpu.vector_store %arg12[%swap3A_177, %swap3A_178], %select_n3A {strides = array<i32>} : memref<128x10240xf32, #tpu.memory_space<vmem>>, vector<128x2048xf32>,
      %le3A = arith.constant 2.500000e-01 : f32
      %le3A_180 = vector.broadcast %le3A : f32 to vector<128x2048xf32>
      %le3A_181 = arith.cmpf ole, %select_n3A, %le3A_180 : vector<128x2048xf32>
      %convert_element_type3A_182 = arith.extui %le3A_181 : vector<128x2048xi1> to vector<128x2048xi32>
      %convert_element_type3A_183 = arith.sitofp %convert_element_type3A_182 : vector<128x2048xi32> to vector<128x2048xf32>
      %reduce_sum3A_184 = arith.constant dense<0.000000e+00> : vector<128xf32>
      %reduce_sum3A_185 = vector.multi_reduction <add>, %convert_element_type3A_183, %reduce_sum3A_184 [1] : vector<128x2048xf32> to vector<128xf32>
      %broadcast_in_dim3A_186 = vector.shape_cast %reduce_sum3A_185 : vector<128xf32> to vector<128x1xf32>
      %swap3A_187 = arith.constant 0 : index
      %swap3A_188 = arith.constant 3 : index
      %swap3A_189 = vector.load %arg13[%swap3A_187, %swap3A_188] : memref<128x128xf32, #tpu.memory_space<vmem>>, vector<128x1xf32>
      tpu.vector_store %arg13[%swap3A_187, %swap3A_188], %broadcast_in_dim3A_186 {strides = array<i32>} : memref<128x128xf32, #tpu.memory_space<vmem>>, vector<128x1xf32>,
    } else {
    }
    %get3A_36 = arith.index_cast %arg0 : i32 to index
    %get3A_37 = arith.constant 4 : index
    %get3A_38 = memref.load %arg1[%get3A_36, %get3A_37] : memref<80x5xi32, #tpu.memory_space<smem>>
    %ne3A_39 = arith.constant 0 : i32
    %ne3A_40 = arith.cmpi ne, %get3A_38, %ne3A_39 : i32
    %convert_element_type3A_41 = arith.extui %ne3A_40 : i1 to i32
    %cond3A_42 = arith.constant 0 : i32
    %cond3A_43 = arith.cmpi ne, %convert_element_type3A_41, %cond3A_42 : i32
    scf.if %cond3A_43 {
      %get3A_153 = arith.constant 0 : index
      %get3A_154 = arith.constant 8192 : index
      %get3A_155 = vector.load %arg3[%get3A_153, %get3A_154] : memref<8x10240xf32, #tpu.memory_space<vmem>>, vector<8x2048xf32>
      %mul3A_156 = arith.mulf %get3A_155, %get3A_155 : vector<8x2048xf32>
      %reduce_sum3A_157 = arith.constant dense<0.000000e+00> : vector<2048xf32>
      %reduce_sum3A_158 = vector.multi_reduction <add>, %mul3A_156, %reduce_sum3A_157 [0] : vector<8x2048xf32> to vector<2048xf32>
      %broadcast_in_dim3A_159 = vector.shape_cast %reduce_sum3A_158 : vector<2048xf32> to vector<1x2048xf32>
      %add3A_160 = vector.broadcast %broadcast_in_dim3A : vector<128x1xf32> to vector<128x2048xf32>
      %add3A_161 = vector.broadcast %broadcast_in_dim3A_159 : vector<1x2048xf32> to vector<128x2048xf32>
      %add3A_162 = arith.addf %add3A_160, %add3A_161 : vector<128x2048xf32>
      %dot_general3A = arith.constant dense<0.000000e+00> : vector<128x2048xf32>
      %dot_general3A_163 = tpu.matmul %get3A_1, %get3A_155, %dot_general3A {dimension_numbers = #tpu.dot_dimension_numbers<[1], [0], [0], [1], [0, 0, 1, 1], [], []>, transpose_lhs_hint = false} : vector<128x8xf32>, vector<8x2048xf32>, vector<128x2048xf32> -> vector<128x2048xf32>
      %mul3A_164 = arith.constant 2.000000e+00 : f32
      %mul3A_165 = vector.broadcast %mul3A_164 : f32 to vector<128x2048xf32>
      %mul3A_166 = arith.mulf %mul3A_165, %dot_general3A_163 : vector<128x2048xf32>
      %sub3A_167 = arith.subf %add3A_162, %mul3A_166 : vector<128x2048xf32>
      %iota3A = tpu.iota {dimensions = array<i32: 1>} : vector<128x2048xi32>
      %add3A_168 = arith.constant 8192 : i32
      %add3A_169 = vector.broadcast %add3A_168 : i32 to vector<128x2048xi32>
      %add3A_170 = arith.addi %iota3A, %add3A_169 : vector<128x2048xi32>
      %iota3A_171 = tpu.iota {dimensions = array<i32: 0>} : vector<128x2048xi32>
      %mul3A_172 = arith.constant 128 : i32
      %mul3A_173 = arith.muli %arg0, %mul3A_172 : i32
      %add3A_174 = vector.broadcast %mul3A_173 : i32 to vector<128x2048xi32>
      %add3A_175 = arith.addi %iota3A_171, %add3A_174 : vector<128x2048xi32>
      %eq3A = arith.cmpi eq, %add3A_170, %add3A_175 : vector<128x2048xi32>
      %jit3A = arith.constant -1.000000e+09 : f32
      %broadcast_in_dim3A_176 = vector.broadcast %jit3A : f32 to vector<128x2048xf32>
      %select_n3A = arith.select %eq3A, %broadcast_in_dim3A_176, %sub3A_167 : vector<128x2048xi1>, vector<128x2048xf32>
      %swap3A_177 = arith.constant 0 : index
      %swap3A_178 = arith.constant 8192 : index
      %swap3A_179 = vector.load %arg12[%swap3A_177, %swap3A_178] : memref<128x10240xf32, #tpu.memory_space<vmem>>, vector<128x2048xf32>
      tpu.vector_store %arg12[%swap3A_177, %swap3A_178], %select_n3A {strides = array<i32>} : memref<128x10240xf32, #tpu.memory_space<vmem>>, vector<128x2048xf32>,
      %le3A = arith.constant 2.500000e-01 : f32
      %le3A_180 = vector.broadcast %le3A : f32 to vector<128x2048xf32>
      %le3A_181 = arith.cmpf ole, %select_n3A, %le3A_180 : vector<128x2048xf32>
      %convert_element_type3A_182 = arith.extui %le3A_181 : vector<128x2048xi1> to vector<128x2048xi32>
      %convert_element_type3A_183 = arith.sitofp %convert_element_type3A_182 : vector<128x2048xi32> to vector<128x2048xf32>
      %reduce_sum3A_184 = arith.constant dense<0.000000e+00> : vector<128xf32>
      %reduce_sum3A_185 = vector.multi_reduction <add>, %convert_element_type3A_183, %reduce_sum3A_184 [1] : vector<128x2048xf32> to vector<128xf32>
      %broadcast_in_dim3A_186 = vector.shape_cast %reduce_sum3A_185 : vector<128xf32> to vector<128x1xf32>
      %swap3A_187 = arith.constant 0 : index
      %swap3A_188 = arith.constant 4 : index
      %swap3A_189 = vector.load %arg13[%swap3A_187, %swap3A_188] : memref<128x128xf32, #tpu.memory_space<vmem>>, vector<128x1xf32>
      tpu.vector_store %arg13[%swap3A_187, %swap3A_188], %broadcast_in_dim3A_186 {strides = array<i32>} : memref<128x128xf32, #tpu.memory_space<vmem>>, vector<128x1xf32>,
    } else {
    }
    %get3A_44 = arith.constant 0 : index
    %get3A_45 = arith.constant 0 : index
    %get3A_46 = vector.load %arg13[%get3A_44, %get3A_45] : memref<128x128xf32, #tpu.memory_space<vmem>>, vector<128x128xf32>
    %reduce_sum3A_47 = arith.constant dense<0.000000e+00> : vector<128xf32>
    %reduce_sum3A_48 = vector.multi_reduction <add>, %get3A_46, %reduce_sum3A_47 [1] : vector<128x128xf32> to vector<128xf32>
    %broadcast_in_dim3A_49 = vector.shape_cast %reduce_sum3A_48 : vector<128xf32> to vector<128x1xf32>
    %broadcast_in_dim3A_50 = arith.constant 2.500000e-01 : f32
    %broadcast_in_dim3A_51 = vector.broadcast %broadcast_in_dim3A_50 : f32 to vector<128x1xf32>
    %swap3A_52 = arith.constant 0 : index
    %swap3A_53 = arith.constant 0 : index
    %swap3A_54 = vector.load %arg16[%swap3A_52, %swap3A_53] : memref<128x1xf32, #tpu.memory_space<vmem>>, vector<128x1xf32>
    tpu.vector_store %arg16[%swap3A_52, %swap3A_53], %broadcast_in_dim3A_51 {strides = array<i32>} : memref<128x1xf32, #tpu.memory_space<vmem>>, vector<128x1xf32>,
    %reduce_max3A = vector.shape_cast %broadcast_in_dim3A_49 : vector<128x1xf32> to vector<1x128x1xf32>
    %reduce_max3A_55 = arith.constant dense<0xFF800000> : vector<1xf32>
    %reduce_max3A_56 = vector.multi_reduction <maximumf>, %reduce_max3A, %reduce_max3A_55 [1, 2] : vector<1x128x1xf32> to vector<1xf32>
    %reduce_max3A_57 = vector.shape_cast %reduce_max3A_56 : vector<1xf32> to vector<1x1x1xf32>
    %reduce_max3A_58 = vector.extract %reduce_max3A_57[0, 0, 0] : f32 from vector<1x1x1xf32>
    %ge3A = arith.constant 1.290000e+02 : f32
    %ge3A_59 = arith.cmpf oge, %reduce_max3A_58, %ge3A : f32
    %convert_element_type3A_60 = arith.extui %ge3A_59 : i1 to i32
    %cond3A_61 = arith.constant 1.290000e+02 : f32
    %cond3A_62 = arith.constant 0 : i32
    %cond3A_63 = arith.cmpi ne, %convert_element_type3A_60, %cond3A_62 : i32
    scf.if %cond3A_63 {
      %broadcast_in_dim3A_153 = arith.constant -1.000000e-03 : f32
      %broadcast_in_dim3A_154 = vector.broadcast %broadcast_in_dim3A_153 : f32 to vector<128x1xf32>
      %broadcast_in_dim3A_155 = arith.constant 2.500000e-01 : f32
      %broadcast_in_dim3A_156 = vector.broadcast %broadcast_in_dim3A_155 : f32 to vector<128x1xf32>
      %scan3A = arith.constant 0 : i32
      %scan3A_157 = arith.constant 14 : i32
      %scan3A_158 = arith.addi %scan3A, %scan3A_157 : i32
      %scan3A_159 = arith.constant 1 : i32
      %scan3A_160:2 = scf.for %scan3A_164 = %scan3A to %scan3A_158 step %scan3A_159 iter_args(%scan3A_165 = %broadcast_in_dim3A_154, %scan3A_166 = %broadcast_in_dim3A_156) -> (vector<128x1xf32>, vector<128x1xf32>)  : i32 {
        %add3A_167 = arith.addf %scan3A_165, %scan3A_166 : vector<128x1xf32>
        %mul3A_168 = arith.constant 5.000000e-01 : f32
        %mul3A_169 = vector.broadcast %mul3A_168 : f32 to vector<128x1xf32>
        %mul3A_170 = arith.mulf %mul3A_169, %add3A_167 : vector<128x1xf32>
        %get3A_171 = arith.index_cast %arg0 : i32 to index
        %get3A_172 = arith.constant 0 : index
        %get3A_173 = memref.load %arg1[%get3A_171, %get3A_172] : memref<80x5xi32, #tpu.memory_space<smem>>
        %ne3A_174 = arith.constant 0 : i32
        %ne3A_175 = arith.cmpi ne, %get3A_173, %ne3A_174 : i32
        %convert_element_type3A_176 = arith.extui %ne3A_175 : i1 to i32
        %cond3A_177 = arith.constant 0 : i32
        %cond3A_178 = arith.cmpi ne, %convert_element_type3A_176, %cond3A_177 : i32
        scf.if %cond3A_178 {
          %get3A_220 = arith.constant 0 : index
          %get3A_221 = arith.constant 0 : index
          %get3A_222 = vector.load %arg12[%get3A_220, %get3A_221] : memref<128x10240xf32, #tpu.memory_space<vmem>>, vector<128x2048xf32>
          %le3A = vector.broadcast %mul3A_170 : vector<128x1xf32> to vector<128x2048xf32>
          %le3A_223 = arith.cmpf ole, %get3A_222, %le3A : vector<128x2048xf32>
          %convert_element_type3A_224 = arith.extui %le3A_223 : vector<128x2048xi1> to vector<128x2048xi32>
          %convert_element_type3A_225 = arith.sitofp %convert_element_type3A_224 : vector<128x2048xi32> to vector<128x2048xf32>
          %reduce_sum3A_226 = arith.constant dense<0.000000e+00> : vector<128xf32>
          %reduce_sum3A_227 = vector.multi_reduction <add>, %convert_element_type3A_225, %reduce_sum3A_226 [1] : vector<128x2048xf32> to vector<128xf32>
          %broadcast_in_dim3A_228 = vector.shape_cast %reduce_sum3A_227 : vector<128xf32> to vector<128x1xf32>
          %swap3A_229 = arith.constant 0 : index
          %swap3A_230 = arith.constant 0 : index
          %swap3A_231 = vector.load %arg13[%swap3A_229, %swap3A_230] : memref<128x128xf32, #tpu.memory_space<vmem>>, vector<128x1xf32>
          tpu.vector_store %arg13[%swap3A_229, %swap3A_230], %broadcast_in_dim3A_228 {strides = array<i32>} : memref<128x128xf32, #tpu.memory_space<vmem>>, vector<128x1xf32>,
        } else {
        }
        %get3A_179 = arith.index_cast %arg0 : i32 to index
        %get3A_180 = arith.constant 1 : index
        %get3A_181 = memref.load %arg1[%get3A_179, %get3A_180] : memref<80x5xi32, #tpu.memory_space<smem>>
        %ne3A_182 = arith.constant 0 : i32
        %ne3A_183 = arith.cmpi ne, %get3A_181, %ne3A_182 : i32
        %convert_element_type3A_184 = arith.extui %ne3A_183 : i1 to i32
        %cond3A_185 = arith.constant 0 : i32
        %cond3A_186 = arith.cmpi ne, %convert_element_type3A_184, %cond3A_185 : i32
        scf.if %cond3A_186 {
          %get3A_220 = arith.constant 0 : index
          %get3A_221 = arith.constant 2048 : index
          %get3A_222 = vector.load %arg12[%get3A_220, %get3A_221] : memref<128x10240xf32, #tpu.memory_space<vmem>>, vector<128x2048xf32>
          %le3A = vector.broadcast %mul3A_170 : vector<128x1xf32> to vector<128x2048xf32>
          %le3A_223 = arith.cmpf ole, %get3A_222, %le3A : vector<128x2048xf32>
          %convert_element_type3A_224 = arith.extui %le3A_223 : vector<128x2048xi1> to vector<128x2048xi32>
          %convert_element_type3A_225 = arith.sitofp %convert_element_type3A_224 : vector<128x2048xi32> to vector<128x2048xf32>
          %reduce_sum3A_226 = arith.constant dense<0.000000e+00> : vector<128xf32>
          %reduce_sum3A_227 = vector.multi_reduction <add>, %convert_element_type3A_225, %reduce_sum3A_226 [1] : vector<128x2048xf32> to vector<128xf32>
          %broadcast_in_dim3A_228 = vector.shape_cast %reduce_sum3A_227 : vector<128xf32> to vector<128x1xf32>
          %swap3A_229 = arith.constant 0 : index
          %swap3A_230 = arith.constant 1 : index
          %swap3A_231 = vector.load %arg13[%swap3A_229, %swap3A_230] : memref<128x128xf32, #tpu.memory_space<vmem>>, vector<128x1xf32>
          tpu.vector_store %arg13[%swap3A_229, %swap3A_230], %broadcast_in_dim3A_228 {strides = array<i32>} : memref<128x128xf32, #tpu.memory_space<vmem>>, vector<128x1xf32>,
        } else {
        }
        %get3A_187 = arith.index_cast %arg0 : i32 to index
        %get3A_188 = arith.constant 2 : index
        %get3A_189 = memref.load %arg1[%get3A_187, %get3A_188] : memref<80x5xi32, #tpu.memory_space<smem>>
        %ne3A_190 = arith.constant 0 : i32
        %ne3A_191 = arith.cmpi ne, %get3A_189, %ne3A_190 : i32
        %convert_element_type3A_192 = arith.extui %ne3A_191 : i1 to i32
        %cond3A_193 = arith.constant 0 : i32
        %cond3A_194 = arith.cmpi ne, %convert_element_type3A_192, %cond3A_193 : i32
        scf.if %cond3A_194 {
          %get3A_220 = arith.constant 0 : index
          %get3A_221 = arith.constant 4096 : index
          %get3A_222 = vector.load %arg12[%get3A_220, %get3A_221] : memref<128x10240xf32, #tpu.memory_space<vmem>>, vector<128x2048xf32>
          %le3A = vector.broadcast %mul3A_170 : vector<128x1xf32> to vector<128x2048xf32>
          %le3A_223 = arith.cmpf ole, %get3A_222, %le3A : vector<128x2048xf32>
          %convert_element_type3A_224 = arith.extui %le3A_223 : vector<128x2048xi1> to vector<128x2048xi32>
          %convert_element_type3A_225 = arith.sitofp %convert_element_type3A_224 : vector<128x2048xi32> to vector<128x2048xf32>
          %reduce_sum3A_226 = arith.constant dense<0.000000e+00> : vector<128xf32>
          %reduce_sum3A_227 = vector.multi_reduction <add>, %convert_element_type3A_225, %reduce_sum3A_226 [1] : vector<128x2048xf32> to vector<128xf32>
          %broadcast_in_dim3A_228 = vector.shape_cast %reduce_sum3A_227 : vector<128xf32> to vector<128x1xf32>
          %swap3A_229 = arith.constant 0 : index
          %swap3A_230 = arith.constant 2 : index
          %swap3A_231 = vector.load %arg13[%swap3A_229, %swap3A_230] : memref<128x128xf32, #tpu.memory_space<vmem>>, vector<128x1xf32>
          tpu.vector_store %arg13[%swap3A_229, %swap3A_230], %broadcast_in_dim3A_228 {strides = array<i32>} : memref<128x128xf32, #tpu.memory_space<vmem>>, vector<128x1xf32>,
        } else {
        }
        %get3A_195 = arith.index_cast %arg0 : i32 to index
        %get3A_196 = arith.constant 3 : index
        %get3A_197 = memref.load %arg1[%get3A_195, %get3A_196] : memref<80x5xi32, #tpu.memory_space<smem>>
        %ne3A_198 = arith.constant 0 : i32
        %ne3A_199 = arith.cmpi ne, %get3A_197, %ne3A_198 : i32
        %convert_element_type3A_200 = arith.extui %ne3A_199 : i1 to i32
        %cond3A_201 = arith.constant 0 : i32
        %cond3A_202 = arith.cmpi ne, %convert_element_type3A_200, %cond3A_201 : i32
        scf.if %cond3A_202 {
          %get3A_220 = arith.constant 0 : index
          %get3A_221 = arith.constant 6144 : index
          %get3A_222 = vector.load %arg12[%get3A_220, %get3A_221] : memref<128x10240xf32, #tpu.memory_space<vmem>>, vector<128x2048xf32>
          %le3A = vector.broadcast %mul3A_170 : vector<128x1xf32> to vector<128x2048xf32>
          %le3A_223 = arith.cmpf ole, %get3A_222, %le3A : vector<128x2048xf32>
          %convert_element_type3A_224 = arith.extui %le3A_223 : vector<128x2048xi1> to vector<128x2048xi32>
          %convert_element_type3A_225 = arith.sitofp %convert_element_type3A_224 : vector<128x2048xi32> to vector<128x2048xf32>
          %reduce_sum3A_226 = arith.constant dense<0.000000e+00> : vector<128xf32>
          %reduce_sum3A_227 = vector.multi_reduction <add>, %convert_element_type3A_225, %reduce_sum3A_226 [1] : vector<128x2048xf32> to vector<128xf32>
          %broadcast_in_dim3A_228 = vector.shape_cast %reduce_sum3A_227 : vector<128xf32> to vector<128x1xf32>
          %swap3A_229 = arith.constant 0 : index
          %swap3A_230 = arith.constant 3 : index
          %swap3A_231 = vector.load %arg13[%swap3A_229, %swap3A_230] : memref<128x128xf32, #tpu.memory_space<vmem>>, vector<128x1xf32>
          tpu.vector_store %arg13[%swap3A_229, %swap3A_230], %broadcast_in_dim3A_228 {strides = array<i32>} : memref<128x128xf32, #tpu.memory_space<vmem>>, vector<128x1xf32>,
        } else {
        }
        %get3A_203 = arith.index_cast %arg0 : i32 to index
        %get3A_204 = arith.constant 4 : index
        %get3A_205 = memref.load %arg1[%get3A_203, %get3A_204] : memref<80x5xi32, #tpu.memory_space<smem>>
        %ne3A_206 = arith.constant 0 : i32
        %ne3A_207 = arith.cmpi ne, %get3A_205, %ne3A_206 : i32
        %convert_element_type3A_208 = arith.extui %ne3A_207 : i1 to i32
        %cond3A_209 = arith.constant 0 : i32
        %cond3A_210 = arith.cmpi ne, %convert_element_type3A_208, %cond3A_209 : i32
        scf.if %cond3A_210 {
          %get3A_220 = arith.constant 0 : index
          %get3A_221 = arith.constant 8192 : index
          %get3A_222 = vector.load %arg12[%get3A_220, %get3A_221] : memref<128x10240xf32, #tpu.memory_space<vmem>>, vector<128x2048xf32>
          %le3A = vector.broadcast %mul3A_170 : vector<128x1xf32> to vector<128x2048xf32>
          %le3A_223 = arith.cmpf ole, %get3A_222, %le3A : vector<128x2048xf32>
          %convert_element_type3A_224 = arith.extui %le3A_223 : vector<128x2048xi1> to vector<128x2048xi32>
          %convert_element_type3A_225 = arith.sitofp %convert_element_type3A_224 : vector<128x2048xi32> to vector<128x2048xf32>
          %reduce_sum3A_226 = arith.constant dense<0.000000e+00> : vector<128xf32>
          %reduce_sum3A_227 = vector.multi_reduction <add>, %convert_element_type3A_225, %reduce_sum3A_226 [1] : vector<128x2048xf32> to vector<128xf32>
          %broadcast_in_dim3A_228 = vector.shape_cast %reduce_sum3A_227 : vector<128xf32> to vector<128x1xf32>
          %swap3A_229 = arith.constant 0 : index
          %swap3A_230 = arith.constant 4 : index
          %swap3A_231 = vector.load %arg13[%swap3A_229, %swap3A_230] : memref<128x128xf32, #tpu.memory_space<vmem>>, vector<128x1xf32>
          tpu.vector_store %arg13[%swap3A_229, %swap3A_230], %broadcast_in_dim3A_228 {strides = array<i32>} : memref<128x128xf32, #tpu.memory_space<vmem>>, vector<128x1xf32>,
        } else {
        }
        %get3A_211 = arith.constant 0 : index
        %get3A_212 = arith.constant 0 : index
        %get3A_213 = vector.load %arg13[%get3A_211, %get3A_212] : memref<128x128xf32, #tpu.memory_space<vmem>>, vector<128x128xf32>
        %reduce_sum3A_214 = arith.constant dense<0.000000e+00> : vector<128xf32>
        %reduce_sum3A_215 = vector.multi_reduction <add>, %get3A_213, %reduce_sum3A_214 [1] : vector<128x128xf32> to vector<128xf32>
        %broadcast_in_dim3A_216 = vector.shape_cast %reduce_sum3A_215 : vector<128xf32> to vector<128x1xf32>
        %ge3A_217 = vector.broadcast %cond3A_61 : f32 to vector<128x1xf32>
        %ge3A_218 = arith.cmpf oge, %broadcast_in_dim3A_216, %ge3A_217 : vector<128x1xf32>
        %select_n3A = arith.select %ge3A_218, %scan3A_165, %mul3A_170 : vector<128x1xi1>, vector<128x1xf32>
        %select_n3A_219 = arith.select %ge3A_218, %mul3A_170, %scan3A_166 : vector<128x1xi1>, vector<128x1xf32>
        scf.yield %select_n3A, %select_n3A_219 : vector<128x1xf32>, vector<128x1xf32>
      }
      %swap3A_161 = arith.constant 0 : index
      %swap3A_162 = arith.constant 0 : index
      %swap3A_163 = vector.load %arg16[%swap3A_161, %swap3A_162] : memref<128x1xf32, #tpu.memory_space<vmem>>, vector<128x1xf32>
      tpu.vector_store %arg16[%swap3A_161, %swap3A_162], %scan3A_160#1 {strides = array<i32>} : memref<128x1xf32, #tpu.memory_space<vmem>>, vector<128x1xf32>,
    } else {
    }
    %get3A_64 = arith.constant 0 : index
    %get3A_65 = arith.constant 0 : index
    %get3A_66 = vector.load %arg16[%get3A_64, %get3A_65] : memref<128x1xf32, #tpu.memory_space<vmem>>, vector<128x1xf32>
    %broadcast_in_dim3A_67 = arith.constant 0.000000e+00 : f32
    %broadcast_in_dim3A_68 = vector.broadcast %broadcast_in_dim3A_67 : f32 to vector<128x256xf32>
    %swap3A_69 = arith.constant 0 : index
    %swap3A_70 = arith.constant 0 : index
    %swap3A_71 = vector.load %arg14[%swap3A_69, %swap3A_70] : memref<128x256xf32, #tpu.memory_space<vmem>>, vector<128x256xf32>
    tpu.vector_store %arg14[%swap3A_69, %swap3A_70], %broadcast_in_dim3A_68 {strides = array<i32>} : memref<128x256xf32, #tpu.memory_space<vmem>>, vector<128x256xf32>,
    %broadcast_in_dim3A_72 = arith.constant 0.000000e+00 : f32
    %broadcast_in_dim3A_73 = vector.broadcast %broadcast_in_dim3A_72 : f32 to vector<128x1xf32>
    %swap3A_74 = arith.constant 0 : index
    %swap3A_75 = arith.constant 0 : index
    %swap3A_76 = vector.load %arg15[%swap3A_74, %swap3A_75] : memref<128x1xf32, #tpu.memory_space<vmem>>, vector<128x1xf32>
    tpu.vector_store %arg15[%swap3A_74, %swap3A_75], %broadcast_in_dim3A_73 {strides = array<i32>} : memref<128x1xf32, #tpu.memory_space<vmem>>, vector<128x1xf32>,
    %get3A_77 = arith.constant 0 : index
    %get3A_78 = arith.constant 0 : index
    %get3A_79 = vector.load %arg7[%get3A_77, %get3A_78] : memref<128x128xf32, #tpu.memory_space<vmem>>, vector<128x128xf32>
    %convert_element_type3A_80 = arith.truncf %get3A_79 : vector<128x128xf32> to vector<128x128xbf16>
    %get3A_81 = arith.index_cast %arg0 : i32 to index
    %get3A_82 = arith.constant 0 : index
    %get3A_83 = memref.load %arg1[%get3A_81, %get3A_82] : memref<80x5xi32, #tpu.memory_space<smem>>
    %ne3A_84 = arith.constant 0 : i32
    %ne3A_85 = arith.cmpi ne, %get3A_83, %ne3A_84 : i32
    %convert_element_type3A_86 = arith.extui %ne3A_85 : i1 to i32
    %cond3A_87 = arith.constant 0 : i32
    %cond3A_88 = arith.cmpi ne, %convert_element_type3A_86, %cond3A_87 : i32
    scf.if %cond3A_88 {
      %get3A_153 = arith.constant 0 : index
      %get3A_154 = arith.constant 0 : index
      %get3A_155 = vector.load %arg5[%get3A_153, %get3A_154] : memref<128x10240xbf16, #tpu.memory_space<vmem>>, vector<128x2048xbf16>
      %dot_general3A = arith.constant dense<0.000000e+00> : vector<128x2048xf32>
      %dot_general3A_156 = tpu.matmul %convert_element_type3A_80, %get3A_155, %dot_general3A {dimension_numbers = #tpu.dot_dimension_numbers<[1], [0], [0], [1], [0, 0, 1, 1], [], []>, transpose_lhs_hint = false} : vector<128x128xbf16>, vector<128x2048xbf16>, vector<128x2048xf32> -> vector<128x2048xf32>
      %get3A_157 = arith.constant 0 : index
      %get3A_158 = arith.constant 0 : index
      %get3A_159 = vector.load %arg12[%get3A_157, %get3A_158] : memref<128x10240xf32, #tpu.memory_space<vmem>>, vector<128x2048xf32>
      %le3A = vector.broadcast %get3A_66 : vector<128x1xf32> to vector<128x2048xf32>
      %le3A_160 = arith.cmpf ole, %get3A_159, %le3A : vector<128x2048xf32>
      %get3A_161 = arith.constant 0 : index
      %get3A_162 = arith.constant 0 : index
      %get3A_163 = vector.load %arg15[%get3A_161, %get3A_162] : memref<128x1xf32, #tpu.memory_space<vmem>>, vector<128x1xf32>
      %convert_element_type3A_164 = arith.extui %le3A_160 : vector<128x2048xi1> to vector<128x2048xi32>
      %convert_element_type3A_165 = arith.sitofp %convert_element_type3A_164 : vector<128x2048xi32> to vector<128x2048xf32>
      %reduce_sum3A_166 = arith.constant dense<0.000000e+00> : vector<128xf32>
      %reduce_sum3A_167 = vector.multi_reduction <add>, %convert_element_type3A_165, %reduce_sum3A_166 [1] : vector<128x2048xf32> to vector<128xf32>
      %broadcast_in_dim3A_168 = vector.shape_cast %reduce_sum3A_167 : vector<128xf32> to vector<128x1xf32>
      %add3A_169 = arith.addf %get3A_163, %broadcast_in_dim3A_168 : vector<128x1xf32>
      %swap3A_170 = arith.constant 0 : index
      %swap3A_171 = arith.constant 0 : index
      %swap3A_172 = vector.load %arg15[%swap3A_170, %swap3A_171] : memref<128x1xf32, #tpu.memory_space<vmem>>, vector<128x1xf32>
      tpu.vector_store %arg15[%swap3A_170, %swap3A_171], %add3A_169 {strides = array<i32>} : memref<128x1xf32, #tpu.memory_space<vmem>>, vector<128x1xf32>,
      %get3A_173 = arith.constant 0 : index
      %get3A_174 = arith.constant 0 : index
      %get3A_175 = vector.load %arg6[%get3A_173, %get3A_174] : memref<1x10240xf32, #tpu.memory_space<vmem>>, vector<1x2048xf32>
      %get3A_176 = arith.constant 0 : index
      %get3A_177 = arith.constant 0 : index
      %get3A_178 = vector.load %arg8[%get3A_176, %get3A_177] : memref<128x1xf32, #tpu.memory_space<vmem>>, vector<128x1xf32>
      %add3A_179 = vector.broadcast %get3A_175 : vector<1x2048xf32> to vector<128x2048xf32>
      %add3A_180 = vector.broadcast %get3A_178 : vector<128x1xf32> to vector<128x2048xf32>
      %add3A_181 = arith.addf %add3A_179, %add3A_180 : vector<128x2048xf32>
      %mul3A_182 = arith.constant 1.562500e-02 : f32
      %mul3A_183 = vector.broadcast %mul3A_182 : f32 to vector<128x2048xf32>
      %mul3A_184 = arith.mulf %mul3A_183, %dot_general3A_156 : vector<128x2048xf32>
      %sub3A_185 = arith.subf %add3A_181, %mul3A_184 : vector<128x2048xf32>
      %add3A_186 = arith.constant 9.99999974E-6 : f32
      %add3A_187 = vector.broadcast %add3A_186 : f32 to vector<128x2048xf32>
      %add3A_188 = arith.addf %sub3A_185, %add3A_187 : vector<128x2048xf32>
      %rsqrt3A = math.rsqrt %add3A_188 : vector<128x2048xf32>
      %jit3A = arith.constant 0.000000e+00 : f32
      %broadcast_in_dim3A_189 = vector.broadcast %jit3A : f32 to vector<128x2048xf32>
      %select_n3A = arith.select %le3A_160, %rsqrt3A, %broadcast_in_dim3A_189 : vector<128x2048xi1>, vector<128x2048xf32>
      %convert_element_type3A_190 = arith.truncf %select_n3A : vector<128x2048xf32> to vector<128x2048xbf16>
      %get3A_191 = arith.constant 0 : index
      %get3A_192 = arith.constant 0 : index
      %get3A_193 = vector.load %arg14[%get3A_191, %get3A_192] : memref<128x256xf32, #tpu.memory_space<vmem>>, vector<128x256xf32>
      %get3A_194 = arith.constant 0 : index
      %get3A_195 = arith.constant 0 : index
      %get3A_196 = vector.load %arg4[%get3A_194, %get3A_195] : memref<10240x256xbf16, #tpu.memory_space<vmem>>, vector<2048x256xbf16>
      %dot_general3A_197 = arith.constant dense<0.000000e+00> : vector<128x256xf32>
      %dot_general3A_198 = tpu.matmul %convert_element_type3A_190, %get3A_196, %dot_general3A_197 {dimension_numbers = #tpu.dot_dimension_numbers<[1], [0], [0], [1], [0, 0, 1, 1], [], []>, transpose_lhs_hint = false} : vector<128x2048xbf16>, vector<2048x256xbf16>, vector<128x256xf32> -> vector<128x256xf32>
      %add3A_199 = arith.addf %get3A_193, %dot_general3A_198 : vector<128x256xf32>
      %swap3A_200 = arith.constant 0 : index
      %swap3A_201 = arith.constant 0 : index
      %swap3A_202 = vector.load %arg14[%swap3A_200, %swap3A_201] : memref<128x256xf32, #tpu.memory_space<vmem>>, vector<128x256xf32>
      tpu.vector_store %arg14[%swap3A_200, %swap3A_201], %add3A_199 {strides = array<i32>} : memref<128x256xf32, #tpu.memory_space<vmem>>, vector<128x256xf32>,
    } else {
    }
    %get3A_89 = arith.index_cast %arg0 : i32 to index
    %get3A_90 = arith.constant 1 : index
    %get3A_91 = memref.load %arg1[%get3A_89, %get3A_90] : memref<80x5xi32, #tpu.memory_space<smem>>
    %ne3A_92 = arith.constant 0 : i32
    %ne3A_93 = arith.cmpi ne, %get3A_91, %ne3A_92 : i32
    %convert_element_type3A_94 = arith.extui %ne3A_93 : i1 to i32
    %cond3A_95 = arith.constant 0 : i32
    %cond3A_96 = arith.cmpi ne, %convert_element_type3A_94, %cond3A_95 : i32
    scf.if %cond3A_96 {
      %get3A_153 = arith.constant 0 : index
      %get3A_154 = arith.constant 2048 : index
      %get3A_155 = vector.load %arg5[%get3A_153, %get3A_154] : memref<128x10240xbf16, #tpu.memory_space<vmem>>, vector<128x2048xbf16>
      %dot_general3A = arith.constant dense<0.000000e+00> : vector<128x2048xf32>
      %dot_general3A_156 = tpu.matmul %convert_element_type3A_80, %get3A_155, %dot_general3A {dimension_numbers = #tpu.dot_dimension_numbers<[1], [0], [0], [1], [0, 0, 1, 1], [], []>, transpose_lhs_hint = false} : vector<128x128xbf16>, vector<128x2048xbf16>, vector<128x2048xf32> -> vector<128x2048xf32>
      %get3A_157 = arith.constant 0 : index
      %get3A_158 = arith.constant 2048 : index
      %get3A_159 = vector.load %arg12[%get3A_157, %get3A_158] : memref<128x10240xf32, #tpu.memory_space<vmem>>, vector<128x2048xf32>
      %le3A = vector.broadcast %get3A_66 : vector<128x1xf32> to vector<128x2048xf32>
      %le3A_160 = arith.cmpf ole, %get3A_159, %le3A : vector<128x2048xf32>
      %get3A_161 = arith.constant 0 : index
      %get3A_162 = arith.constant 0 : index
      %get3A_163 = vector.load %arg15[%get3A_161, %get3A_162] : memref<128x1xf32, #tpu.memory_space<vmem>>, vector<128x1xf32>
      %convert_element_type3A_164 = arith.extui %le3A_160 : vector<128x2048xi1> to vector<128x2048xi32>
      %convert_element_type3A_165 = arith.sitofp %convert_element_type3A_164 : vector<128x2048xi32> to vector<128x2048xf32>
      %reduce_sum3A_166 = arith.constant dense<0.000000e+00> : vector<128xf32>
      %reduce_sum3A_167 = vector.multi_reduction <add>, %convert_element_type3A_165, %reduce_sum3A_166 [1] : vector<128x2048xf32> to vector<128xf32>
      %broadcast_in_dim3A_168 = vector.shape_cast %reduce_sum3A_167 : vector<128xf32> to vector<128x1xf32>
      %add3A_169 = arith.addf %get3A_163, %broadcast_in_dim3A_168 : vector<128x1xf32>
      %swap3A_170 = arith.constant 0 : index
      %swap3A_171 = arith.constant 0 : index
      %swap3A_172 = vector.load %arg15[%swap3A_170, %swap3A_171] : memref<128x1xf32, #tpu.memory_space<vmem>>, vector<128x1xf32>
      tpu.vector_store %arg15[%swap3A_170, %swap3A_171], %add3A_169 {strides = array<i32>} : memref<128x1xf32, #tpu.memory_space<vmem>>, vector<128x1xf32>,
      %get3A_173 = arith.constant 0 : index
      %get3A_174 = arith.constant 2048 : index
      %get3A_175 = vector.load %arg6[%get3A_173, %get3A_174] : memref<1x10240xf32, #tpu.memory_space<vmem>>, vector<1x2048xf32>
      %get3A_176 = arith.constant 0 : index
      %get3A_177 = arith.constant 0 : index
      %get3A_178 = vector.load %arg8[%get3A_176, %get3A_177] : memref<128x1xf32, #tpu.memory_space<vmem>>, vector<128x1xf32>
      %add3A_179 = vector.broadcast %get3A_175 : vector<1x2048xf32> to vector<128x2048xf32>
      %add3A_180 = vector.broadcast %get3A_178 : vector<128x1xf32> to vector<128x2048xf32>
      %add3A_181 = arith.addf %add3A_179, %add3A_180 : vector<128x2048xf32>
      %mul3A_182 = arith.constant 1.562500e-02 : f32
      %mul3A_183 = vector.broadcast %mul3A_182 : f32 to vector<128x2048xf32>
      %mul3A_184 = arith.mulf %mul3A_183, %dot_general3A_156 : vector<128x2048xf32>
      %sub3A_185 = arith.subf %add3A_181, %mul3A_184 : vector<128x2048xf32>
      %add3A_186 = arith.constant 9.99999974E-6 : f32
      %add3A_187 = vector.broadcast %add3A_186 : f32 to vector<128x2048xf32>
      %add3A_188 = arith.addf %sub3A_185, %add3A_187 : vector<128x2048xf32>
      %rsqrt3A = math.rsqrt %add3A_188 : vector<128x2048xf32>
      %jit3A = arith.constant 0.000000e+00 : f32
      %broadcast_in_dim3A_189 = vector.broadcast %jit3A : f32 to vector<128x2048xf32>
      %select_n3A = arith.select %le3A_160, %rsqrt3A, %broadcast_in_dim3A_189 : vector<128x2048xi1>, vector<128x2048xf32>
      %convert_element_type3A_190 = arith.truncf %select_n3A : vector<128x2048xf32> to vector<128x2048xbf16>
      %get3A_191 = arith.constant 0 : index
      %get3A_192 = arith.constant 0 : index
      %get3A_193 = vector.load %arg14[%get3A_191, %get3A_192] : memref<128x256xf32, #tpu.memory_space<vmem>>, vector<128x256xf32>
      %get3A_194 = arith.constant 2048 : index
      %get3A_195 = arith.constant 0 : index
      %get3A_196 = vector.load %arg4[%get3A_194, %get3A_195] : memref<10240x256xbf16, #tpu.memory_space<vmem>>, vector<2048x256xbf16>
      %dot_general3A_197 = arith.constant dense<0.000000e+00> : vector<128x256xf32>
      %dot_general3A_198 = tpu.matmul %convert_element_type3A_190, %get3A_196, %dot_general3A_197 {dimension_numbers = #tpu.dot_dimension_numbers<[1], [0], [0], [1], [0, 0, 1, 1], [], []>, transpose_lhs_hint = false} : vector<128x2048xbf16>, vector<2048x256xbf16>, vector<128x256xf32> -> vector<128x256xf32>
      %add3A_199 = arith.addf %get3A_193, %dot_general3A_198 : vector<128x256xf32>
      %swap3A_200 = arith.constant 0 : index
      %swap3A_201 = arith.constant 0 : index
      %swap3A_202 = vector.load %arg14[%swap3A_200, %swap3A_201] : memref<128x256xf32, #tpu.memory_space<vmem>>, vector<128x256xf32>
      tpu.vector_store %arg14[%swap3A_200, %swap3A_201], %add3A_199 {strides = array<i32>} : memref<128x256xf32, #tpu.memory_space<vmem>>, vector<128x256xf32>,
    } else {
    }
    %get3A_97 = arith.index_cast %arg0 : i32 to index
    %get3A_98 = arith.constant 2 : index
    %get3A_99 = memref.load %arg1[%get3A_97, %get3A_98] : memref<80x5xi32, #tpu.memory_space<smem>>
    %ne3A_100 = arith.constant 0 : i32
    %ne3A_101 = arith.cmpi ne, %get3A_99, %ne3A_100 : i32
    %convert_element_type3A_102 = arith.extui %ne3A_101 : i1 to i32
    %cond3A_103 = arith.constant 0 : i32
    %cond3A_104 = arith.cmpi ne, %convert_element_type3A_102, %cond3A_103 : i32
    scf.if %cond3A_104 {
      %get3A_153 = arith.constant 0 : index
      %get3A_154 = arith.constant 4096 : index
      %get3A_155 = vector.load %arg5[%get3A_153, %get3A_154] : memref<128x10240xbf16, #tpu.memory_space<vmem>>, vector<128x2048xbf16>
      %dot_general3A = arith.constant dense<0.000000e+00> : vector<128x2048xf32>
      %dot_general3A_156 = tpu.matmul %convert_element_type3A_80, %get3A_155, %dot_general3A {dimension_numbers = #tpu.dot_dimension_numbers<[1], [0], [0], [1], [0, 0, 1, 1], [], []>, transpose_lhs_hint = false} : vector<128x128xbf16>, vector<128x2048xbf16>, vector<128x2048xf32> -> vector<128x2048xf32>
      %get3A_157 = arith.constant 0 : index
      %get3A_158 = arith.constant 4096 : index
      %get3A_159 = vector.load %arg12[%get3A_157, %get3A_158] : memref<128x10240xf32, #tpu.memory_space<vmem>>, vector<128x2048xf32>
      %le3A = vector.broadcast %get3A_66 : vector<128x1xf32> to vector<128x2048xf32>
      %le3A_160 = arith.cmpf ole, %get3A_159, %le3A : vector<128x2048xf32>
      %get3A_161 = arith.constant 0 : index
      %get3A_162 = arith.constant 0 : index
      %get3A_163 = vector.load %arg15[%get3A_161, %get3A_162] : memref<128x1xf32, #tpu.memory_space<vmem>>, vector<128x1xf32>
      %convert_element_type3A_164 = arith.extui %le3A_160 : vector<128x2048xi1> to vector<128x2048xi32>
      %convert_element_type3A_165 = arith.sitofp %convert_element_type3A_164 : vector<128x2048xi32> to vector<128x2048xf32>
      %reduce_sum3A_166 = arith.constant dense<0.000000e+00> : vector<128xf32>
      %reduce_sum3A_167 = vector.multi_reduction <add>, %convert_element_type3A_165, %reduce_sum3A_166 [1] : vector<128x2048xf32> to vector<128xf32>
      %broadcast_in_dim3A_168 = vector.shape_cast %reduce_sum3A_167 : vector<128xf32> to vector<128x1xf32>
      %add3A_169 = arith.addf %get3A_163, %broadcast_in_dim3A_168 : vector<128x1xf32>
      %swap3A_170 = arith.constant 0 : index
      %swap3A_171 = arith.constant 0 : index
      %swap3A_172 = vector.load %arg15[%swap3A_170, %swap3A_171] : memref<128x1xf32, #tpu.memory_space<vmem>>, vector<128x1xf32>
      tpu.vector_store %arg15[%swap3A_170, %swap3A_171], %add3A_169 {strides = array<i32>} : memref<128x1xf32, #tpu.memory_space<vmem>>, vector<128x1xf32>,
      %get3A_173 = arith.constant 0 : index
      %get3A_174 = arith.constant 4096 : index
      %get3A_175 = vector.load %arg6[%get3A_173, %get3A_174] : memref<1x10240xf32, #tpu.memory_space<vmem>>, vector<1x2048xf32>
      %get3A_176 = arith.constant 0 : index
      %get3A_177 = arith.constant 0 : index
      %get3A_178 = vector.load %arg8[%get3A_176, %get3A_177] : memref<128x1xf32, #tpu.memory_space<vmem>>, vector<128x1xf32>
      %add3A_179 = vector.broadcast %get3A_175 : vector<1x2048xf32> to vector<128x2048xf32>
      %add3A_180 = vector.broadcast %get3A_178 : vector<128x1xf32> to vector<128x2048xf32>
      %add3A_181 = arith.addf %add3A_179, %add3A_180 : vector<128x2048xf32>
      %mul3A_182 = arith.constant 1.562500e-02 : f32
      %mul3A_183 = vector.broadcast %mul3A_182 : f32 to vector<128x2048xf32>
      %mul3A_184 = arith.mulf %mul3A_183, %dot_general3A_156 : vector<128x2048xf32>
      %sub3A_185 = arith.subf %add3A_181, %mul3A_184 : vector<128x2048xf32>
      %add3A_186 = arith.constant 9.99999974E-6 : f32
      %add3A_187 = vector.broadcast %add3A_186 : f32 to vector<128x2048xf32>
      %add3A_188 = arith.addf %sub3A_185, %add3A_187 : vector<128x2048xf32>
      %rsqrt3A = math.rsqrt %add3A_188 : vector<128x2048xf32>
      %jit3A = arith.constant 0.000000e+00 : f32
      %broadcast_in_dim3A_189 = vector.broadcast %jit3A : f32 to vector<128x2048xf32>
      %select_n3A = arith.select %le3A_160, %rsqrt3A, %broadcast_in_dim3A_189 : vector<128x2048xi1>, vector<128x2048xf32>
      %convert_element_type3A_190 = arith.truncf %select_n3A : vector<128x2048xf32> to vector<128x2048xbf16>
      %get3A_191 = arith.constant 0 : index
      %get3A_192 = arith.constant 0 : index
      %get3A_193 = vector.load %arg14[%get3A_191, %get3A_192] : memref<128x256xf32, #tpu.memory_space<vmem>>, vector<128x256xf32>
      %get3A_194 = arith.constant 4096 : index
      %get3A_195 = arith.constant 0 : index
      %get3A_196 = vector.load %arg4[%get3A_194, %get3A_195] : memref<10240x256xbf16, #tpu.memory_space<vmem>>, vector<2048x256xbf16>
      %dot_general3A_197 = arith.constant dense<0.000000e+00> : vector<128x256xf32>
      %dot_general3A_198 = tpu.matmul %convert_element_type3A_190, %get3A_196, %dot_general3A_197 {dimension_numbers = #tpu.dot_dimension_numbers<[1], [0], [0], [1], [0, 0, 1, 1], [], []>, transpose_lhs_hint = false} : vector<128x2048xbf16>, vector<2048x256xbf16>, vector<128x256xf32> -> vector<128x256xf32>
      %add3A_199 = arith.addf %get3A_193, %dot_general3A_198 : vector<128x256xf32>
      %swap3A_200 = arith.constant 0 : index
      %swap3A_201 = arith.constant 0 : index
      %swap3A_202 = vector.load %arg14[%swap3A_200, %swap3A_201] : memref<128x256xf32, #tpu.memory_space<vmem>>, vector<128x256xf32>
      tpu.vector_store %arg14[%swap3A_200, %swap3A_201], %add3A_199 {strides = array<i32>} : memref<128x256xf32, #tpu.memory_space<vmem>>, vector<128x256xf32>,
    } else {
    }
    %get3A_105 = arith.index_cast %arg0 : i32 to index
    %get3A_106 = arith.constant 3 : index
    %get3A_107 = memref.load %arg1[%get3A_105, %get3A_106] : memref<80x5xi32, #tpu.memory_space<smem>>
    %ne3A_108 = arith.constant 0 : i32
    %ne3A_109 = arith.cmpi ne, %get3A_107, %ne3A_108 : i32
    %convert_element_type3A_110 = arith.extui %ne3A_109 : i1 to i32
    %cond3A_111 = arith.constant 0 : i32
    %cond3A_112 = arith.cmpi ne, %convert_element_type3A_110, %cond3A_111 : i32
    scf.if %cond3A_112 {
      %get3A_153 = arith.constant 0 : index
      %get3A_154 = arith.constant 6144 : index
      %get3A_155 = vector.load %arg5[%get3A_153, %get3A_154] : memref<128x10240xbf16, #tpu.memory_space<vmem>>, vector<128x2048xbf16>
      %dot_general3A = arith.constant dense<0.000000e+00> : vector<128x2048xf32>
      %dot_general3A_156 = tpu.matmul %convert_element_type3A_80, %get3A_155, %dot_general3A {dimension_numbers = #tpu.dot_dimension_numbers<[1], [0], [0], [1], [0, 0, 1, 1], [], []>, transpose_lhs_hint = false} : vector<128x128xbf16>, vector<128x2048xbf16>, vector<128x2048xf32> -> vector<128x2048xf32>
      %get3A_157 = arith.constant 0 : index
      %get3A_158 = arith.constant 6144 : index
      %get3A_159 = vector.load %arg12[%get3A_157, %get3A_158] : memref<128x10240xf32, #tpu.memory_space<vmem>>, vector<128x2048xf32>
      %le3A = vector.broadcast %get3A_66 : vector<128x1xf32> to vector<128x2048xf32>
      %le3A_160 = arith.cmpf ole, %get3A_159, %le3A : vector<128x2048xf32>
      %get3A_161 = arith.constant 0 : index
      %get3A_162 = arith.constant 0 : index
      %get3A_163 = vector.load %arg15[%get3A_161, %get3A_162] : memref<128x1xf32, #tpu.memory_space<vmem>>, vector<128x1xf32>
      %convert_element_type3A_164 = arith.extui %le3A_160 : vector<128x2048xi1> to vector<128x2048xi32>
      %convert_element_type3A_165 = arith.sitofp %convert_element_type3A_164 : vector<128x2048xi32> to vector<128x2048xf32>
      %reduce_sum3A_166 = arith.constant dense<0.000000e+00> : vector<128xf32>
      %reduce_sum3A_167 = vector.multi_reduction <add>, %convert_element_type3A_165, %reduce_sum3A_166 [1] : vector<128x2048xf32> to vector<128xf32>
      %broadcast_in_dim3A_168 = vector.shape_cast %reduce_sum3A_167 : vector<128xf32> to vector<128x1xf32>
      %add3A_169 = arith.addf %get3A_163, %broadcast_in_dim3A_168 : vector<128x1xf32>
      %swap3A_170 = arith.constant 0 : index
      %swap3A_171 = arith.constant 0 : index
      %swap3A_172 = vector.load %arg15[%swap3A_170, %swap3A_171] : memref<128x1xf32, #tpu.memory_space<vmem>>, vector<128x1xf32>
      tpu.vector_store %arg15[%swap3A_170, %swap3A_171], %add3A_169 {strides = array<i32>} : memref<128x1xf32, #tpu.memory_space<vmem>>, vector<128x1xf32>,
      %get3A_173 = arith.constant 0 : index
      %get3A_174 = arith.constant 6144 : index
      %get3A_175 = vector.load %arg6[%get3A_173, %get3A_174] : memref<1x10240xf32, #tpu.memory_space<vmem>>, vector<1x2048xf32>
      %get3A_176 = arith.constant 0 : index
      %get3A_177 = arith.constant 0 : index
      %get3A_178 = vector.load %arg8[%get3A_176, %get3A_177] : memref<128x1xf32, #tpu.memory_space<vmem>>, vector<128x1xf32>
      %add3A_179 = vector.broadcast %get3A_175 : vector<1x2048xf32> to vector<128x2048xf32>
      %add3A_180 = vector.broadcast %get3A_178 : vector<128x1xf32> to vector<128x2048xf32>
      %add3A_181 = arith.addf %add3A_179, %add3A_180 : vector<128x2048xf32>
      %mul3A_182 = arith.constant 1.562500e-02 : f32
      %mul3A_183 = vector.broadcast %mul3A_182 : f32 to vector<128x2048xf32>
      %mul3A_184 = arith.mulf %mul3A_183, %dot_general3A_156 : vector<128x2048xf32>
      %sub3A_185 = arith.subf %add3A_181, %mul3A_184 : vector<128x2048xf32>
      %add3A_186 = arith.constant 9.99999974E-6 : f32
      %add3A_187 = vector.broadcast %add3A_186 : f32 to vector<128x2048xf32>
      %add3A_188 = arith.addf %sub3A_185, %add3A_187 : vector<128x2048xf32>
      %rsqrt3A = math.rsqrt %add3A_188 : vector<128x2048xf32>
      %jit3A = arith.constant 0.000000e+00 : f32
      %broadcast_in_dim3A_189 = vector.broadcast %jit3A : f32 to vector<128x2048xf32>
      %select_n3A = arith.select %le3A_160, %rsqrt3A, %broadcast_in_dim3A_189 : vector<128x2048xi1>, vector<128x2048xf32>
      %convert_element_type3A_190 = arith.truncf %select_n3A : vector<128x2048xf32> to vector<128x2048xbf16>
      %get3A_191 = arith.constant 0 : index
      %get3A_192 = arith.constant 0 : index
      %get3A_193 = vector.load %arg14[%get3A_191, %get3A_192] : memref<128x256xf32, #tpu.memory_space<vmem>>, vector<128x256xf32>
      %get3A_194 = arith.constant 6144 : index
      %get3A_195 = arith.constant 0 : index
      %get3A_196 = vector.load %arg4[%get3A_194, %get3A_195] : memref<10240x256xbf16, #tpu.memory_space<vmem>>, vector<2048x256xbf16>
      %dot_general3A_197 = arith.constant dense<0.000000e+00> : vector<128x256xf32>
      %dot_general3A_198 = tpu.matmul %convert_element_type3A_190, %get3A_196, %dot_general3A_197 {dimension_numbers = #tpu.dot_dimension_numbers<[1], [0], [0], [1], [0, 0, 1, 1], [], []>, transpose_lhs_hint = false} : vector<128x2048xbf16>, vector<2048x256xbf16>, vector<128x256xf32> -> vector<128x256xf32>
      %add3A_199 = arith.addf %get3A_193, %dot_general3A_198 : vector<128x256xf32>
      %swap3A_200 = arith.constant 0 : index
      %swap3A_201 = arith.constant 0 : index
      %swap3A_202 = vector.load %arg14[%swap3A_200, %swap3A_201] : memref<128x256xf32, #tpu.memory_space<vmem>>, vector<128x256xf32>
      tpu.vector_store %arg14[%swap3A_200, %swap3A_201], %add3A_199 {strides = array<i32>} : memref<128x256xf32, #tpu.memory_space<vmem>>, vector<128x256xf32>,
    } else {
    }
    %get3A_113 = arith.index_cast %arg0 : i32 to index
    %get3A_114 = arith.constant 4 : index
    %get3A_115 = memref.load %arg1[%get3A_113, %get3A_114] : memref<80x5xi32, #tpu.memory_space<smem>>
    %ne3A_116 = arith.constant 0 : i32
    %ne3A_117 = arith.cmpi ne, %get3A_115, %ne3A_116 : i32
    %convert_element_type3A_118 = arith.extui %ne3A_117 : i1 to i32
    %cond3A_119 = arith.constant 0 : i32
    %cond3A_120 = arith.cmpi ne, %convert_element_type3A_118, %cond3A_119 : i32
    scf.if %cond3A_120 {
      %get3A_153 = arith.constant 0 : index
      %get3A_154 = arith.constant 8192 : index
      %get3A_155 = vector.load %arg5[%get3A_153, %get3A_154] : memref<128x10240xbf16, #tpu.memory_space<vmem>>, vector<128x2048xbf16>
      %dot_general3A = arith.constant dense<0.000000e+00> : vector<128x2048xf32>
      %dot_general3A_156 = tpu.matmul %convert_element_type3A_80, %get3A_155, %dot_general3A {dimension_numbers = #tpu.dot_dimension_numbers<[1], [0], [0], [1], [0, 0, 1, 1], [], []>, transpose_lhs_hint = false} : vector<128x128xbf16>, vector<128x2048xbf16>, vector<128x2048xf32> -> vector<128x2048xf32>
      %get3A_157 = arith.constant 0 : index
      %get3A_158 = arith.constant 8192 : index
      %get3A_159 = vector.load %arg12[%get3A_157, %get3A_158] : memref<128x10240xf32, #tpu.memory_space<vmem>>, vector<128x2048xf32>
      %le3A = vector.broadcast %get3A_66 : vector<128x1xf32> to vector<128x2048xf32>
      %le3A_160 = arith.cmpf ole, %get3A_159, %le3A : vector<128x2048xf32>
      %get3A_161 = arith.constant 0 : index
      %get3A_162 = arith.constant 0 : index
      %get3A_163 = vector.load %arg15[%get3A_161, %get3A_162] : memref<128x1xf32, #tpu.memory_space<vmem>>, vector<128x1xf32>
      %convert_element_type3A_164 = arith.extui %le3A_160 : vector<128x2048xi1> to vector<128x2048xi32>
      %convert_element_type3A_165 = arith.sitofp %convert_element_type3A_164 : vector<128x2048xi32> to vector<128x2048xf32>
      %reduce_sum3A_166 = arith.constant dense<0.000000e+00> : vector<128xf32>
      %reduce_sum3A_167 = vector.multi_reduction <add>, %convert_element_type3A_165, %reduce_sum3A_166 [1] : vector<128x2048xf32> to vector<128xf32>
      %broadcast_in_dim3A_168 = vector.shape_cast %reduce_sum3A_167 : vector<128xf32> to vector<128x1xf32>
      %add3A_169 = arith.addf %get3A_163, %broadcast_in_dim3A_168 : vector<128x1xf32>
      %swap3A_170 = arith.constant 0 : index
      %swap3A_171 = arith.constant 0 : index
      %swap3A_172 = vector.load %arg15[%swap3A_170, %swap3A_171] : memref<128x1xf32, #tpu.memory_space<vmem>>, vector<128x1xf32>
      tpu.vector_store %arg15[%swap3A_170, %swap3A_171], %add3A_169 {strides = array<i32>} : memref<128x1xf32, #tpu.memory_space<vmem>>, vector<128x1xf32>,
      %get3A_173 = arith.constant 0 : index
      %get3A_174 = arith.constant 8192 : index
      %get3A_175 = vector.load %arg6[%get3A_173, %get3A_174] : memref<1x10240xf32, #tpu.memory_space<vmem>>, vector<1x2048xf32>
      %get3A_176 = arith.constant 0 : index
      %get3A_177 = arith.constant 0 : index
      %get3A_178 = vector.load %arg8[%get3A_176, %get3A_177] : memref<128x1xf32, #tpu.memory_space<vmem>>, vector<128x1xf32>
      %add3A_179 = vector.broadcast %get3A_175 : vector<1x2048xf32> to vector<128x2048xf32>
      %add3A_180 = vector.broadcast %get3A_178 : vector<128x1xf32> to vector<128x2048xf32>
      %add3A_181 = arith.addf %add3A_179, %add3A_180 : vector<128x2048xf32>
      %mul3A_182 = arith.constant 1.562500e-02 : f32
      %mul3A_183 = vector.broadcast %mul3A_182 : f32 to vector<128x2048xf32>
      %mul3A_184 = arith.mulf %mul3A_183, %dot_general3A_156 : vector<128x2048xf32>
      %sub3A_185 = arith.subf %add3A_181, %mul3A_184 : vector<128x2048xf32>
      %add3A_186 = arith.constant 9.99999974E-6 : f32
      %add3A_187 = vector.broadcast %add3A_186 : f32 to vector<128x2048xf32>
      %add3A_188 = arith.addf %sub3A_185, %add3A_187 : vector<128x2048xf32>
      %rsqrt3A = math.rsqrt %add3A_188 : vector<128x2048xf32>
      %jit3A = arith.constant 0.000000e+00 : f32
      %broadcast_in_dim3A_189 = vector.broadcast %jit3A : f32 to vector<128x2048xf32>
      %select_n3A = arith.select %le3A_160, %rsqrt3A, %broadcast_in_dim3A_189 : vector<128x2048xi1>, vector<128x2048xf32>
      %convert_element_type3A_190 = arith.truncf %select_n3A : vector<128x2048xf32> to vector<128x2048xbf16>
      %get3A_191 = arith.constant 0 : index
      %get3A_192 = arith.constant 0 : index
      %get3A_193 = vector.load %arg14[%get3A_191, %get3A_192] : memref<128x256xf32, #tpu.memory_space<vmem>>, vector<128x256xf32>
      %get3A_194 = arith.constant 8192 : index
      %get3A_195 = arith.constant 0 : index
      %get3A_196 = vector.load %arg4[%get3A_194, %get3A_195] : memref<10240x256xbf16, #tpu.memory_space<vmem>>, vector<2048x256xbf16>
      %dot_general3A_197 = arith.constant dense<0.000000e+00> : vector<128x256xf32>
      %dot_general3A_198 = tpu.matmul %convert_element_type3A_190, %get3A_196, %dot_general3A_197 {dimension_numbers = #tpu.dot_dimension_numbers<[1], [0], [0], [1], [0, 0, 1, 1], [], []>, transpose_lhs_hint = false} : vector<128x2048xbf16>, vector<2048x256xbf16>, vector<128x256xf32> -> vector<128x256xf32>
      %add3A_199 = arith.addf %get3A_193, %dot_general3A_198 : vector<128x256xf32>
      %swap3A_200 = arith.constant 0 : index
      %swap3A_201 = arith.constant 0 : index
      %swap3A_202 = vector.load %arg14[%swap3A_200, %swap3A_201] : memref<128x256xf32, #tpu.memory_space<vmem>>, vector<128x256xf32>
      tpu.vector_store %arg14[%swap3A_200, %swap3A_201], %add3A_199 {strides = array<i32>} : memref<128x256xf32, #tpu.memory_space<vmem>>, vector<128x256xf32>,
    } else {
    }
    %get3A_121 = arith.constant 0 : index
    %get3A_122 = arith.constant 0 : index
    %get3A_123 = vector.load %arg14[%get3A_121, %get3A_122] : memref<128x256xf32, #tpu.memory_space<vmem>>, vector<128x128xf32>
    %get3A_124 = arith.constant 0 : index
    %get3A_125 = arith.constant 128 : index
    %get3A_126 = vector.load %arg14[%get3A_124, %get3A_125] : memref<128x256xf32, #tpu.memory_space<vmem>>, vector<128x1xf32>
    %get3A_127 = arith.constant 0 : index
    %get3A_128 = arith.constant 0 : index
    %get3A_129 = vector.load %arg15[%get3A_127, %get3A_128] : memref<128x1xf32, #tpu.memory_space<vmem>>, vector<128x1xf32>
    %get3A_130 = arith.constant 0 : index
    %get3A_131 = arith.constant 0 : index
    %get3A_132 = vector.load %arg7[%get3A_130, %get3A_131] : memref<128x128xf32, #tpu.memory_space<vmem>>, vector<128x128xf32>
    %mul3A_133 = vector.broadcast %get3A_126 : vector<128x1xf32> to vector<128x128xf32>
    %mul3A_134 = arith.mulf %mul3A_133, %get3A_132 : vector<128x128xf32>
    %sub3A = arith.subf %get3A_123, %mul3A_134 : vector<128x128xf32>
    %get3A_135 = arith.constant 0 : index
    %get3A_136 = arith.constant 0 : index
    %get3A_137 = vector.load %arg9[%get3A_135, %get3A_136] : memref<1x128xf32, #tpu.memory_space<vmem>>, vector<1x128xf32>
    %max3A = arith.constant 1.000000e+00 : f32
    %max3A_138 = vector.broadcast %max3A : f32 to vector<128x1xf32>
    %max3A_139 = arith.maximumf %get3A_129, %max3A_138 : vector<128x1xf32>
    %div3A = vector.broadcast %get3A_137 : vector<1x128xf32> to vector<128x128xf32>
    %div3A_140 = vector.broadcast %max3A_139 : vector<128x1xf32> to vector<128x128xf32>
    %div3A_141 = arith.divf %div3A, %div3A_140 : vector<128x128xf32>
    %mul3A_142 = arith.mulf %sub3A, %div3A_141 : vector<128x128xf32>
    %get3A_143 = arith.constant 0 : index
    %get3A_144 = arith.constant 0 : index
    %get3A_145 = vector.load %arg10[%get3A_143, %get3A_144] : memref<1x128xf32, #tpu.memory_space<vmem>>, vector<1x128xf32>
    %add3A = vector.broadcast %get3A_145 : vector<1x128xf32> to vector<128x128xf32>
    %add3A_146 = arith.addf %mul3A_142, %add3A : vector<128x128xf32>
    %max3A_147 = arith.constant 0.000000e+00 : f32
    %max3A_148 = vector.broadcast %max3A_147 : f32 to vector<128x128xf32>
    %max3A_149 = arith.maximumf %add3A_146, %max3A_148 : vector<128x128xf32>
    %swap3A_150 = arith.constant 0 : index
    %swap3A_151 = arith.constant 0 : index
    %swap3A_152 = vector.load %arg11[%swap3A_150, %swap3A_151] : memref<128x128xf32, #tpu.memory_space<vmem>>, vector<128x128xf32>
    tpu.vector_store %arg11[%swap3A_150, %swap3A_151], %max3A_149 {strides = array<i32>} : memref<128x128xf32, #tpu.memory_space<vmem>>, vector<128x128xf32>,
    return
  }
  func.func @transform_0(%arg0: i32, %arg1: memref<80x5xi32, #tpu.memory_space<smem>>) -> (i32, i32) {
    %c0_i32 = arith.constant 0 : i32
    %c0_i32_0 = arith.constant 0 : i32
    return %arg0, %c0_i32 : i32, i32
  }
  func.func @transform_1(%arg0: i32, %arg1: memref<80x5xi32, #tpu.memory_space<smem>>) -> (i32, i32) {
    %c0_i32 = arith.constant 0 : i32
    %c0_i32_0 = arith.constant 0 : i32
    %c0_i32_1 = arith.constant 0 : i32
    return %c0_i32, %c0_i32_0 : i32, i32
  }
  func.func @transform_2(%arg0: i32, %arg1: memref<80x5xi32, #tpu.memory_space<smem>>) -> (i32, i32) {
    %c0_i32 = arith.constant 0 : i32
    %c0_i32_0 = arith.constant 0 : i32
    %c0_i32_1 = arith.constant 0 : i32
    return %c0_i32, %c0_i32_0 : i32, i32
  }
  func.func @transform_3(%arg0: i32, %arg1: memref<80x5xi32, #tpu.memory_space<smem>>) -> (i32, i32) {
    %c0_i32 = arith.constant 0 : i32
    %c0_i32_0 = arith.constant 0 : i32
    %c0_i32_1 = arith.constant 0 : i32
    return %c0_i32, %c0_i32_0 : i32, i32
  }
  func.func @transform_4(%arg0: i32, %arg1: memref<80x5xi32, #tpu.memory_space<smem>>) -> (i32, i32) {
    %c0_i32 = arith.constant 0 : i32
    %c0_i32_0 = arith.constant 0 : i32
    %c0_i32_1 = arith.constant 0 : i32
    return %c0_i32, %c0_i32_0 : i32, i32
  }
  func.func @transform_5(%arg0: i32, %arg1: memref<80x5xi32, #tpu.memory_space<smem>>) -> (i32, i32) {
    %c0_i32 = arith.constant 0 : i32
    %c0_i32_0 = arith.constant 0 : i32
    return %arg0, %c0_i32 : i32, i32
  }
  func.func @transform_6(%arg0: i32, %arg1: memref<80x5xi32, #tpu.memory_space<smem>>) -> (i32, i32) {
    %c0_i32 = arith.constant 0 : i32
    %c0_i32_0 = arith.constant 0 : i32
    return %arg0, %c0_i32 : i32, i32
  }
  func.func @transform_7(%arg0: i32, %arg1: memref<80x5xi32, #tpu.memory_space<smem>>) -> (i32, i32) {
    %c0_i32 = arith.constant 0 : i32
    %c0_i32_0 = arith.constant 0 : i32
    %c0_i32_1 = arith.constant 0 : i32
    return %c0_i32, %c0_i32_0 : i32, i32
  }
  func.func @transform_8(%arg0: i32, %arg1: memref<80x5xi32, #tpu.memory_space<smem>>) -> (i32, i32) {
    %c0_i32 = arith.constant 0 : i32
    %c0_i32_0 = arith.constant 0 : i32
    %c0_i32_1 = arith.constant 0 : i32
    return %c0_i32, %c0_i32_0 : i32, i32
  }
  func.func @transform_9(%arg0: i32, %arg1: memref<80x5xi32, #tpu.memory_space<smem>>) -> (i32, i32) {
    %c0_i32 = arith.constant 0 : i32
    %c0_i32_0 = arith.constant 0 : i32
    return %arg0, %c0_i32 : i32, i32
  }
}

</mosaic_0001>

<sc_bundles>
// kernel: gather_offload_async_start.1
scs
__scs_entry_jumppad:
0x0: {  	(pc) =	sbr.rel $0x88, $3  }
0x1: {  	(tag) =	ssettag $0x0;
	lr =	simm.s32 $0x1  }
0x2: {  	[smem:$0x3F9B] =	sst lr;
	_ =	strace $0xD0000000  }
0x3: {  	_ = 	snop  }
0x4: {  	_ = 	snop  }
0x5: {  	_ = 	snop  }
0x6: {  	_ = 	snop  }
0x7: {  	_ = 	snop  }
__scs_overlays_trampoline_lowered:
0x8: {  	[smem:$0x3FAA] =	sst s0  }
0x9: {  	[smem:$0x3FAB] =	sst s1  }
0xa: {  	[smem:$0x3FAC] =	sst s2  }
0xb: {  	[smem:$0x3FAD] =	sst s3  }
0xc: {  	[smem:$0x3FAE] =	sst s4  }
0xd: {  	[smem:$0x3FAF] =	sst s5  }
0xe: {  	[smem:$0x3FB0] =	sst s6  }
0xf: {  	[smem:$0x3FB1] =	sst s7  }
0x10: {  	[smem:$0x3FB2] =	sst s8  }
0x11: {  	[smem:$0x3FB3] =	sst s9;
	s0 =	simm.s32 @!p0 $0x0  }
0x12: {  	s1 =	sld [smem:$0x3F99];
	s0 =	simm.s32 @p0 $0x1  }
0x13: {  	[smem:$0x3FB4] =	sst s0;
	s0 =	simm.s32 @!p1 $0x0  }
0x14: {  	s2 =	sld [smem:$0x3F98];
	s0 =	simm.s32 @p1 $0x1  }
0x15: {  	[smem:$0x3FB5] =	sst s0;
	s0 =	simm.s32 @!p2 $0x0  }
0x16: {  	s3 =	sld [smem:$0x3FDB];
	s0 =	simm.s32 @p2 $0x1  }
0x17: {  	s4 =	simm.s32 $0x1BF5;
	[smem:$0x3FB7] =	sst s0  }
0x18: {  	s0 =	sld [smem:$0x3F9A];
	_ =	swait.ge [sflag:s4], $0x0  }
0x19: {  	s7 =	sld [smem:$0x3F9B]  }
0x1a: {  	s8 =	sadd.s32 $0xFFFFE003, lr  }
0x1b: {  	s9 =	sadd.s32 $0xFFFFFEF7, lr;
	s5 =	simm.s32 $0xFFFFFFFF;
	p2 =	slt.u32 s8, $0xFFFFF086  }
0x1c: {  	p1 =	slt.u32 s9, $0xF7A;
	s5 =	simm.s32 @!p2 $0x0  }
0x1d: {  	s5 =	simm.s32 @p1 $0x1;
	p0 =	seq.s32 s7, s2  }
0x1e: {  	s7 =	smul.u32 @!p0 $0xF7A, s2;
	p2 =	seq.s32 @!p0 s5, $0x0  }
0x1f: {  	s9 =	smul.u32 $0xF7A, s1;
	s8 =	simm.s32 @!p0 $0x1BF5;
	p2 =	por !p2, p0  }
0x20: {  	[sflag:s8] =	ssyncset.s32 @!p0 $0xFFFFF086;
	s6 =	sadd.s32 @!p0 s3, s7;
	s7 =	simm.s32 @!p0 $0x108  }
0x21: {  	s3 =	sadd.s32 s3, s9;
	s6 =	sadd.s32 @!p0 $0x88, s6;
	s7 =	simm.s32 @p2 $0x1082  }
0x22: {  	[simem:s7], [sflag:s8] =	dma.local @!p0 [hbm:s6], $0xF7A  }
0x23: {  	s9 =	sor.u32 $0xD0000000, s2;
	s6 =	simm.s32 $0x108;
	_ =	swait.ge @!p0 [sflag:s8], $0x0  }
0x24: {  	s3 =	sadd.s32 $0x88, s3;
	s6 =	simm.s32 @!p1 $0x1082;
	[sflag:s4] =	ssyncset.s32 $0xFFFFF086  }
0x25: {  	[simem:s6], [sflag:s4] =	dma.local [hbm:s3], $0xF7A  }
0x26: {  	[smem:$0x3F9B] =	sst s1;
	(tag) =	ssettag s2;
	_ =	strace s9  }
0x27: {  	s1 =	sld [smem:$0x3FAB]  }
0x28: {  	s2 =	sld [smem:$0x3FAC]  }
0x29: {  	s4 =	sld [smem:$0x3FAE]  }
0x2a: {  	p0 =	seq.s32 s5, $0x0;
	s5 =	sld [smem:$0x3FAF]  }
0x2b: {  	s6 =	sld [smem:$0x3FB0]  }
0x2c: {  	s7 =	sld [smem:$0x3FB1]  }
0x2d: {  	s3 =	simm.s32 $0x108;
	s8 =	sld [smem:$0x3FB2]  }
0x2e: {  	s3 =	simm.s32 @!p0 $0x1082;
	s9 =	sld [smem:$0x3FB3]  }
0x2f: {  	lr =	sadd.s32 s0, s3;
	s0 =	sld [smem:$0x3FAA]  }
0x30: {  	s3 =	sld [smem:$0x3FAD]  }
0x31: {  	[smem:$0x3FB6] =	sst s10  }
0x32: {  	s10 =	sld [smem:$0x3FB4];
	_ =	sdelay $0x3  }
0x33: {  	p0 =	seq.s32 s10, $0x1;
	s10 =	sld [smem:$0x3FB6];
	_ =	sdelay $0x3  }
0x34: {  	[smem:$0x3FB6] =	sst s10  }
0x35: {  	s10 =	sld [smem:$0x3FB5];
	_ =	sdelay $0x3  }
0x36: {  	p1 =	seq.s32 s10, $0x1;
	s10 =	sld [smem:$0x3FB6];
	_ =	sdelay $0x3  }
0x37: {  	[smem:$0x3FB6] =	sst s10  }
0x38: {  	s10 =	sld [smem:$0x3FB7]  }
0x39: {  	_ = 	snop;
	(pc) =	sbr.ind lr, $3  }
0x3a: {  	_ = 	snop  }
0x3b: {  	_ = 	snop  }
0x3c: {  	p2 =	seq.s32 s10, $0x1;
	s10 =	sld [smem:$0x3FB6]  }
0x3d: {  	_ =	shalt  }
0x3e: {  	_ =	shalt  }
0x3f: {  	_ =	shalt  }
0x40: {  	_ =	shalt  }
0x41: {  	_ =	shalt  }
0x42: {  	_ =	shalt  }
0x43: {  	_ =	shalt  }
0x44: {  	_ =	shalt  }
0x45: {  	_ =	shalt  }
0x46: {  	_ =	shalt  }
0x47: {  	_ =	shalt  }
0x48: {  	_ =	shalt  }
0x49: {  	_ =	shalt  }
0x4a: {  	_ =	shalt  }
0x4b: {  	_ =	shalt  }
0x4c: {  	_ =	shalt  }
0x4d: {  	_ =	shalt  }
0x4e: {  	_ =	shalt  }
0x4f: {  	_ =	shalt  }
0x50: {  	_ =	shalt  }
0x51: {  	_ =	shalt  }
0x52: {  	_ =	shalt  }
0x53: {  	_ =	shalt  }
0x54: {  	_ =	shalt  }
0x55: {  	_ =	shalt  }
0x56: {  	_ =	shalt  }
0x57: {  	_ =	shalt  }
0x58: {  	_ =	shalt  }
0x59: {  	_ =	shalt  }
0x5a: {  	_ =	shalt  }
0x5b: {  	_ =	shalt  }
0x5c: {  	_ =	shalt  }
0x5d: {  	_ =	shalt  }
0x5e: {  	_ =	shalt  }
0x5f: {  	_ =	shalt  }
0x60: {  	_ =	shalt  }
0x61: {  	_ =	shalt  }
0x62: {  	_ =	shalt  }
0x63: {  	_ =	shalt  }
0x64: {  	_ =	shalt  }
0x65: {  	_ =	shalt  }
0x66: {  	_ =	shalt  }
0x67: {  	_ =	shalt  }
0x68: {  	_ =	shalt  }
0x69: {  	_ =	shalt  }
0x6a: {  	_ =	shalt  }
0x6b: {  	_ =	shalt  }
0x6c: {  	_ =	shalt  }
0x6d: {  	_ =	shalt  }
0x6e: {  	_ =	shalt  }
0x6f: {  	_ =	shalt  }
0x70: {  	_ =	shalt  }
0x71: {  	_ =	shalt  }
0x72: {  	_ =	shalt  }
0x73: {  	_ =	shalt  }
0x74: {  	_ =	shalt  }
0x75: {  	_ =	shalt  }
0x76: {  	_ =	shalt  }
0x77: {  	_ =	shalt  }
0x78: {  	_ =	shalt  }
0x79: {  	_ =	shalt  }
0x7a: {  	_ =	shalt  }
0x7b: {  	_ =	shalt  }
0x7c: {  	_ =	shalt  }
0x7d: {  	_ =	shalt  }
0x7e: {  	_ =	shalt  }
0x7f: {  	_ =	shalt  }
0x80: {  	_ =	shalt  }
0x81: {  	_ =	shalt  }
0x82: {  	_ =	shalt  }
0x83: {  	_ =	shalt  }
0x84: {  	_ =	shalt  }
0x85: {  	_ =	shalt  }
0x86: {  	_ =	shalt  }
0x87: {  	_ =	shalt  }
.Lfunc_end0:
.L_simem_size_0:
called_computation.1_lowered:
.L_overlay_start_0:
0x88: {  	s0 =	sld [smem:$0x3FD9]  }
0x89: {  	s1 =	sld [smem:$0x3FFE];
	_ =	sdelay $0x3  }
0x8a: {  	s0 =	sadd.s32 s1, s0  }
0x8b: {  	[smem:$0x3FC2] =	sst s0  }
0x8c: {  	_ = 	snop  }
0x8d: {  	s0 =	sld [smem:$0x3FD0];
	(tm) =	ssettm $0x1  }
0x8e: {  	s16 =	sld [smem:$0x3FFB];
	_ =	sdelay $0x3  }
0x8f: {  	_ =	strace s16  }
0x90: {  	s1 =	sld [smem:$0x3FFC];
	_ =	sdelay $0x3  }
0x91: {  	_ =	strace s1  }
0x92: {  	s1 =	sld [smem:$0x3FFD];
	_ =	sdelay $0x3  }
0x93: {  	_ =	strace s1  }
0x94: {  	_ =	strace $0x8FFFFFFF  }
0x95: {  	s17 =	sld [smem:$0x3FDB];
	_ =	sdelay $0x1  }
0x96: {  	s2 =	simm.s32 $_scs_section_size  }
0x97: {  	s3 =	simm.s32 $_size__tile_overlayer_lowered;
	s4 =	simm.s32 $_tile_overlayer_lowered  }
0x98: {  	s20 =	simm.s32 $0x1BFF;
	s19 =	sshll.u32 s4, $0x1;
	s1 =	sadd.s32 s2, s17  }
0x99: {  	s5 =	simm.s32 $0x0;
	s18 =	sshll.u32 s3, $0x1;
	s3 =	sadd.s32 s19, s1  }
0x9a: {  	[timem:s5], [sflag:s20] =	dma.local [hbm:s3], s18  }
0x9b: {  	_ =	swait.ge [sflag:s20], s18  }
0x9c: {  	s2 =	ssub.s32 $0x0, s18;
	[sflag:s20] =	ssyncset.done $0x0  }
0x9d: {  	[sflag:s20] =	ssyncadd.s32 s2;
	_ =	sdelay $0x1  }
0x9e: {  	s21 =	simm.s32 $0x1B8B  }
0x9f: {  	_ =	swait.ge [sflag:s21], $0x1  }
0xa0: {  	[sflag:s21] =	ssyncset.done $0x0  }
0xa1: {  	s23 =	simm.s32 $0x1B8E;
	s22 =	sld [smem:$0x3FFE];
	[sflag:s21] =	ssyncadd.s32 $0xFFFFFFFF  }
0xa2: {  	s24 =	simm.s32 $execute0_lowered;
	[smem:$0x3FD2] =	sst s23  }
0xa3: {  	s3 =	sshll.u32 s24, $0x1;
	_ =	strace $0x80000046;
	[dreg:$0x1] =	wrdreg $0xFFFFFFFF  }
0xa4: {  	s25 =	simm.s32 $_size_execute0_lowered;
	s1 =	sadd.s32 s1, s3;
	[dreg:$0x0] =	wrdreg $0x0  }
0xa5: {  	s3 =	sshll.u32 s25, $0x1;
	[dreg:$0x2] =	wrdreg s1  }
0xa6: {  	[dreg:$0x3] =	wrdreg s3  }
0xa7: {  	[dreg:$0x4] =	wrdreg $0xC0  }
0xa8: {  	_ =	task [dreg:s5], $0x5FFFF  }
0xa9: {  	[dreg:$0x1] =	wrdreg $0xFFFFFFFF  }
0xaa: {  	[dreg:$0x0] =	wrdreg $0x60  }
0xab: {  	[dreg:$0x2] =	wrdreg s0  }
0xac: {  	[dreg:$0x3] =	wrdreg s22  }
0xad: {  	[dreg:$0x4] =	wrdreg $0x9  }
0xae: {  	_ =	task.clear_ibuf [dreg:s5], $0x5FFFF;
	_ =	strace $0x90000046  }
0xaf: {  	s26 =	simm.s32 $0x9;
	_ =	strace $0x80000048  }
0xb0: {  	_ =	swait.ge [sflag:s26], $0x1  }
0xb1: {  	[sflag:s26] =	ssyncadd.s32 $0xFFFFFFFF  }
0xb2: {  	_ =	strace $0x90000048  }
0xb3: {  	_ =	sfence  }
0xb4: {  	s28 =	sld [smem:$0x0];
	_ =	sdelay $0x1  }
0xb5: {  	s29 =	srdreg.scid  }
0xb6: {  	s30 =	sshll.u32 s29, $0xD;
	s31 =	sshrl.u32 s29, $0x2  }
0xb7: {  	s2 =	sand.u32 $0x4000, s30;
	s1 =	sand.u32 $0x1, s29;
	s0 =	sadd.s32 s31, s28  }
0xb8: {  	s1 =	sor.u32 s2, s1;
	s0 =	sshll.u32 s0, $0x11  }
0xb9: {  	s0 =	sor.u32 s0, s1  }
0xba: {  	s0 =	sadd.s32 $0x8F2B, s0  }
0xbb: {  	[sflag:s0] =	ssyncadd.remote.s32 $0x1  }
0xbc: {  	_ =	sfence.sel $0xFFFF  }
0xbd: {  	[dreg:$0x0] =	wrdreg $0xFFFFFFFF;
	(pc) =	sbr.abs _section_cstart, $3  }
0xbe: {  	[dreg:$0x1] =	wrdreg $0xFFFFFFFF  }
0xbf: {  	_ =	task.clear_ibuf [dreg:s5], $0x2FFFF;
	_ =	strace $0x9FFFFFFF  }
0xc0: {  	(tm) =	ssettm $0x7FFFFFFF  }
0xc1: {  	_ =	shalt  }
tec
execute0_lowered:
.L_overlay_start_1:
0x0: {  	(tag) =	ssettag $0x1  }
0x1: {  	s0 =	stileid.u32  }
0x2: {  	s1 =	smin.u32 s0, $0x9  }
0x3: {  	s1 =	sadd.s32 s0, s1  }
0x4: {  	s2 =	simm.s32 $0x320;
	p0 =	slt.u32 s0, $0x9;
	s1 =	smul.u32 $0x190, s1  }
0x5: {  	s2 =	simm.s32 @!p0 $0x190  }
0x6: {  	s2 =	sadd.s32 s2, s1  }
0x7: {  	s3 =	smin.u32 s2, $0x2710  }
0x8: {  	s7 =	ssub.s32 s3, s1  }
0x9: {  	p0 =	sgt.s32 s7, $0x0  }
0xa: {  	s7 =	simm.s32 @!p0 $0x0  }
0xb: {  	s31 =	sand.u32 $0xFFF0, s7  }
0xc: {  	s2 =	sshrl.u32 s31, $0x4  }
0xd: {  	s4 =	rddreg [dreg:$0x0];
	s2 =	smul.u32 $0xA3E, s2  }
0xe: {  	s5 =	rddreg [dreg:$0x1]  }
0xf: {  	s6 =	simm.s32 $0x1;
	s10 =	simm.s32 $0x3;
	s8 =	sshrl.u32 s2, $0x10  }
0x10: {  	s13 =	simm.s32 $0x0;
	s12 =	simm.s32 $0x0;
	s9 =	smul.u32 $0x190, s8  }
.Ltmp0:
0x11: {  	s11 =	smov.u32 s1;
	s2 =	rddreg [dreg:$0x2];
	(pc) =	sbr.rel .LBB2_1-.Ltmp0, $4  }
0x12: {  	_ =	strace $0x80000047;
	p0 =	sne.s32 s7, s9;
	s9 =	simm.s32 $0x1  }
0x13: {  	[sflag:s6] =	ssyncpa.u1 $0x0;
	s7 =	simm.s32 $0x2;
	s9 =	simm.s32 @!p0 $0x0  }
0x14: {  	[sflag:s7] =	ssyncpa.u1 $0x0;
	p0 =	por $0x0, $0x0;
	s8 =	sadd.s32 s8, s9  }
0x15: {  	vm0 =	vmmov $0xff;
	vm1 =	vcmask $0x3F20;
	s9 =	sadd.s32 $0xC00, s5;
	[sflag:s10] =	ssyncpa.u1 $0x0;
	s10 =	sadd.s32 $0x1, s8  }
.LBB2_6:
0x16: {  	[hbm:s17] =	stream.linear.scatter [tilespmem:s14], [sflag:$0x3], $0x400, $0x38;
	[tilespmem:$0x19320] =	vst v63  }
.LBB2_7:
0x17: {  	s13 =	sadd.s32 $0x190, s11  }
0x18: {  	s15 =	smov.u32 s1;
	p2 =	slt.s32 s13, s3  }
0x19: {  	s15 =	smov.u32 @p2 s13;
	p2 =	sne.s32 s12, s10  }
.Ltmp1:
0x1a: {  	p1 =	slt.u32 s12, $0x2;
	(pc) =	sbr.rel @!p2 .LBB2_8-.Ltmp1, $4  }
0x1b: {  	s14 =	simm.s32 @!p1 $0x3  }
0x1c: {  	s16 =	sadd.s32 $0x1, s12;
	_ =	swait.ge @!p1 [sflag:s14], $0xC800  }
0x1d: {  	p0 =	por !p0, !p0;
	s13 =	smov.u32 s11;
	[sflag:s14] =	ssyncset.done @!p1 $0x0  }
0x1e: {  	s12 =	smov.u32 s16;
	s11 =	smov.u32 s15;
	[sflag:s14] =	ssyncadd.s32 @!p1 $0xFFFF3800  }
.LBB2_1:
0x1f: {  	p1 =	sge.u32 s12, s8  }
0x20: {  	s14 =	sxor.u32 @!p1 $0xFFFFFFFF, s12  }
0x21: {  	s14 =	sand.u32 @!p1 $0x1, s14  }
0x22: {  	s14 =	smul.u32 @!p1 $0x640, s14  }
0x23: {  	s31 =	sadd.s32 $0xFFFFFFFF, s12;
	s15 =	sshrl.u32 @!p1 s11, $0x3  }
0x24: {  	s16 =	sand.u32 @!p1 $0x7, s11;
	s15 =	sadd.s32 @!p1 s5, s15;
	s14 =	sshrl.u32 @!p1 s14, $0x2  }
0x25: {  	[tilespmem:s14], [sflag:$0x2] =	stream.linear.gather @!p1 [hbm4b:s15+s16], $0x190, $0x38;
	[tilespmem:$0x19320] =	vst v63  }
0x26: {  	p1 =	sge.u32 s31, s8  }
.Ltmp2:
0x27: {  	_ = 	snop;
	(pc) =	sbr.rel @p1 .LBB2_7-.Ltmp2, $1  }
0x28: {  	_ =	sdelay $0x3  }
0x29: {  	s14 =	simm.s32 $0x1  }
0x2a: {  	s14 =	simm.s32 @!p0 $0x0  }
0x2b: {  	s15 =	smul.u32 $0x640, s14  }
0x2c: {  	_ =	swait.ge [sflag:s7], $0x190  }
0x2d: {  	[sflag:s7] =	ssyncset.done $0x0;
	s16 =	sshrl.u32 s15, $0x2  }
0x2e: {  	[sflag:s7] =	ssyncadd.s32 $0xFFFFFE70;
	s15 =	sadd.s32 $0x0, s16  }
0x2f: {  	v0 =	vld.msk [tilespmem:s15+$0x0 ss:$0x1], $0xffff;
	_ =	sdelay $0x4  }
0x30: {  	vm2 =	vgt.s32 v0, $0x0  }
0x31: {  	v0 =	vnsel vm2, $0x0, v0  }
0x32: {  	v0 =	vmin.u32 v0, $0x270F  }
0x33: {  	v0 =	vshll.u32 v0, $0x4  }
0x34: {  	s14 =	smul.u32 $0x32000, s14;
	_ =	sdelay $0x1  }
0x35: {  	s14 =	sshrl.u32 s14, $0x2  }
0x36: {  	s14 =	sor.u32 $0x320, s14  }
0x37: {  	[tilespmem:s14], [sflag:$0x1] =	stream.indirect_vreg.gather [hbm:s4], $0x80, v0, vm0, $0x38;
	[tilespmem:$0x19320] =	vst v63  }
0x38: {  	s17 =	sadd.s32 $0x10, s16;
	s15 =	sadd.s32 $0x400, s14  }
0x39: {  	[tilespmem:s15], [sflag:$0x1] =	stream.indirect_vreg.gather [hbm:s4], $0x80, v0, vm1, $0x38;
	[tilespmem:$0x19320] =	vst v63  }
0x3a: {  	s18 =	simm.s32 $0x80;
	v0 =	vld.msk [tilespmem:s17+$0x0 ss:$0x1], $0xffff;
	s17 =	smov.u32 s14  }
.LBB2_3:
0x3b: {  	p1 =	sne.s32 s18, $0x600;
	_ =	sdelay $0x4  }
0x3c: {  	vm2 =	vgt.s32 v0, $0x0  }
0x3d: {  	v0 =	vnsel vm2, $0x0, v0  }
0x3e: {  	v0 =	vmin.u32 v0, $0x270F  }
0x3f: {  	v0 =	vshll.u32 v0, $0x4;
	_ =	sdelay $0x3  }
.Ltmp3:
0x40: {  	s19 =	sshra.s32 s18, $0x2;
	s17 =	sadd.s32 $0x800, s17;
	(pc) =	sbr.rel @p1 .LBB2_3-.Ltmp3, $4  }
0x41: {  	[tilespmem:s17], [sflag:$0x1] =	stream.indirect_vreg.gather [hbm:s4], $0x80, v0, vm0, $0x38;
	[tilespmem:$0x19320] =	vst v63  }
0x42: {  	s19 =	sadd.s32 s19, s16;
	s20 =	sadd.s32 $0x400, s17  }
0x43: {  	[tilespmem:s20], [sflag:$0x1] =	stream.indirect_vreg.gather [hbm:s4], $0x80, v0, vm1, $0x38;
	[tilespmem:$0x19320] =	vst v63  }
0x44: {  	s18 =	sadd.s32 $0x40, s18;
	v0 =	vld.msk [tilespmem:s19+$0x0 ss:$0x1], $0xffff  }
0x45: {  	_ =	sdelay $0x3  }
0x46: {  	vm2 =	vgt.s32 v0, $0x0  }
0x47: {  	v0 =	vnsel vm2, $0x0, v0  }
0x48: {  	v0 =	vmin.u32 v0, $0x270F  }
0x49: {  	v0 =	vshll.u32 v0, $0x4;
	_ =	sdelay $0x3  }
0x4a: {  	s16 =	sadd.s32 $0x800, s17  }
0x4b: {  	[tilespmem:s16], [sflag:$0x1] =	stream.indirect_vreg.gather [hbm:s4], $0x80, v0, vm0, $0x38;
	[tilespmem:$0x19320] =	vst v63  }
0x4c: {  	s16 =	sadd.s32 $0x400, s16  }
0x4d: {  	[tilespmem:s16], [sflag:$0x1] =	stream.indirect_vreg.gather [hbm:s4], $0x80, v0, vm1, $0x38;
	[tilespmem:$0x19320] =	vst v63  }
0x4e: {  	s13 =	sshll.u32 s13, $0x4;
	_ =	swait.ge [sflag:s6], $0xC800  }
0x4f: {  	s13 =	sadd.s32 s13, s9;
	[sflag:s6] =	ssyncset.done $0x0  }
0x50: {  	s17 =	sadd.s32 $0x0, s13;
	s16 =	simm.s32 $0x80;
	[sflag:s6] =	ssyncadd.s32 $0xFFFF3800  }
.LBB2_5:
0x51: {  	[hbm:s17] =	stream.linear.scatter [tilespmem:s14], [sflag:$0x3], $0x400, $0x38;
	[tilespmem:$0x19320] =	vst v63  }
0x52: {  	s17 =	smov.u32 s16;
	s14 =	smov.u32 s15;
	p1 =	sne.s32 s16, $0x1880  }
.Ltmp4:
0x53: {  	s16 =	sadd.s32 $0x80, s16;
	(pc) =	sbr.rel @p1 .LBB2_5-.Ltmp4, $2  }
0x54: {  	_ =	sdelay $0x2  }
0x55: {  	s15 =	sadd.s32 $0x400, s15;
	s17 =	sadd.s32 s17, s13  }
.Ltmp5:
0x56: {  	_ = 	snop;
	(pc) =	sbr.rel .LBB2_6-.Ltmp5, $1  }
0x57: {  	_ =	sdelay $0x3  }
.LBB2_8:
0x58: {  	_ =	sfence.sel $0x180000  }
0x59: {  	s1 =	simm.s32 $0x2;
	[bflag:$0x0] =	sbarrier.arrive $0xFFFF  }
0x5a: {  	s30 =	simm.s32 $0x3;
	[sflag:s1] =	ssyncpa.u1 $0x1  }
0x5b: {  	s31 =	simm.s32 $0x1;
	[sflag:s30] =	ssyncpa.u1 $0x1  }
0x5c: {  	[sflag:s31] =	ssyncpa.u1 $0x1  }
0x5d: {  	p0 =	sne.s32 s0, $0x0;
	_ =	strace $0x90000047  }
0x5e: {  	s0 =	sadd.s32 @!p0 $0x100000, s2;
	[bflag:$0x2] =	sbarrier.arrive $0xFFFF  }
0x5f: {  	[sflag:s0] =	ssyncadd.tile.s32 @!p0 $0x1;
	_ =	shalt  }
.Lfunc_end2:
_tile_overlayer_lowered:
.L_overlay_start_2:
0x60: {  	(tag) =	ssettag $0x2  }
0x61: {  	s0 =	rddreg [dreg:$0x0];
	s2 =	stileid.u32  }
0x62: {  	s1 =	rddreg [dreg:$0x1];
	p0 =	sne.s32 s2, $0x0  }
0x63: {  	s3 =	rddreg [dreg:$0x2];
	[bflag:$0x3] =	sbarrier.arrive $0xFFFF;
	s2 =	simm.s32 @!p0 $0x1C01  }
0x64: {  	[timem:s3], [sflag:s2] =	dma.local @!p0 [hbm:s0], s1  }
0x65: {  	s0 =	simm.s32 @!p0 $0x1  }
0x66: {  	_ =	swait.ge @!p0 [sflag:s0], s1  }
0x67: {  	s1 =	ssub.s32 @!p0 $0x0, s1;
	[sflag:s0] =	ssyncset.done @!p0 $0x0  }
0x68: {  	[sflag:s0] =	ssyncadd.s32 @!p0 s1  }
0x69: {  	[bflag:$0x3] =	sbarrier.arrive $0xFFFF  }
0x6a: {  	_ =	shalt  }

// kernel: gather_offload_async_start.2
scs
__scs_entry_jumppad:
0x0: {  	(pc) =	sbr.rel $0x88, $3  }
0x1: {  	(tag) =	ssettag $0x0;
	lr =	simm.s32 $0x1  }
0x2: {  	[smem:$0x3F9B] =	sst lr;
	_ =	strace $0xD0000000  }
0x3: {  	_ = 	snop  }
0x4: {  	_ = 	snop  }
0x5: {  	_ = 	snop  }
0x6: {  	_ = 	snop  }
0x7: {  	_ = 	snop  }
__scs_overlays_trampoline_lowered:
0x8: {  	[smem:$0x3FAA] =	sst s0  }
0x9: {  	[smem:$0x3FAB] =	sst s1  }
0xa: {  	[smem:$0x3FAC] =	sst s2  }
0xb: {  	[smem:$0x3FAD] =	sst s3  }
0xc: {  	[smem:$0x3FAE] =	sst s4  }
0xd: {  	[smem:$0x3FAF] =	sst s5  }
0xe: {  	[smem:$0x3FB0] =	sst s6  }
0xf: {  	[smem:$0x3FB1] =	sst s7  }
0x10: {  	[smem:$0x3FB2] =	sst s8  }
0x11: {  	[smem:$0x3FB3] =	sst s9;
	s0 =	simm.s32 @!p0 $0x0  }
0x12: {  	s1 =	sld [smem:$0x3F99];
	s0 =	simm.s32 @p0 $0x1  }
0x13: {  	[smem:$0x3FB4] =	sst s0;
	s0 =	simm.s32 @!p1 $0x0  }
0x14: {  	s2 =	sld [smem:$0x3F98];
	s0 =	simm.s32 @p1 $0x1  }
0x15: {  	[smem:$0x3FB5] =	sst s0;
	s0 =	simm.s32 @!p2 $0x0  }
0x16: {  	s3 =	sld [smem:$0x3FDB];
	s0 =	simm.s32 @p2 $0x1  }
0x17: {  	s4 =	simm.s32 $0x1BF5;
	[smem:$0x3FB7] =	sst s0  }
0x18: {  	s0 =	sld [smem:$0x3F9A];
	_ =	swait.ge [sflag:s4], $0x0  }
0x19: {  	s7 =	sld [smem:$0x3F9B]  }
0x1a: {  	s8 =	sadd.s32 $0xFFFFE003, lr  }
0x1b: {  	s9 =	sadd.s32 $0xFFFFFEF7, lr;
	s5 =	simm.s32 $0xFFFFFFFF;
	p2 =	slt.u32 s8, $0xFFFFF086  }
0x1c: {  	p1 =	slt.u32 s9, $0xF7A;
	s5 =	simm.s32 @!p2 $0x0  }
0x1d: {  	s5 =	simm.s32 @p1 $0x1;
	p0 =	seq.s32 s7, s2  }
0x1e: {  	s7 =	smul.u32 @!p0 $0xF7A, s2;
	p2 =	seq.s32 @!p0 s5, $0x0  }
0x1f: {  	s9 =	smul.u32 $0xF7A, s1;
	s8 =	simm.s32 @!p0 $0x1BF5;
	p2 =	por !p2, p0  }
0x20: {  	[sflag:s8] =	ssyncset.s32 @!p0 $0xFFFFF086;
	s6 =	sadd.s32 @!p0 s3, s7;
	s7 =	simm.s32 @!p0 $0x108  }
0x21: {  	s3 =	sadd.s32 s3, s9;
	s6 =	sadd.s32 @!p0 $0x88, s6;
	s7 =	simm.s32 @p2 $0x1082  }
0x22: {  	[simem:s7], [sflag:s8] =	dma.local @!p0 [hbm:s6], $0xF7A  }
0x23: {  	s9 =	sor.u32 $0xD0000000, s2;
	s6 =	simm.s32 $0x108;
	_ =	swait.ge @!p0 [sflag:s8], $0x0  }
0x24: {  	s3 =	sadd.s32 $0x88, s3;
	s6 =	simm.s32 @!p1 $0x1082;
	[sflag:s4] =	ssyncset.s32 $0xFFFFF086  }
0x25: {  	[simem:s6], [sflag:s4] =	dma.local [hbm:s3], $0xF7A  }
0x26: {  	[smem:$0x3F9B] =	sst s1;
	(tag) =	ssettag s2;
	_ =	strace s9  }
0x27: {  	s1 =	sld [smem:$0x3FAB]  }
0x28: {  	s2 =	sld [smem:$0x3FAC]  }
0x29: {  	s4 =	sld [smem:$0x3FAE]  }
0x2a: {  	p0 =	seq.s32 s5, $0x0;
	s5 =	sld [smem:$0x3FAF]  }
0x2b: {  	s6 =	sld [smem:$0x3FB0]  }
0x2c: {  	s7 =	sld [smem:$0x3FB1]  }
0x2d: {  	s3 =	simm.s32 $0x108;
	s8 =	sld [smem:$0x3FB2]  }
0x2e: {  	s3 =	simm.s32 @!p0 $0x1082;
	s9 =	sld [smem:$0x3FB3]  }
0x2f: {  	lr =	sadd.s32 s0, s3;
	s0 =	sld [smem:$0x3FAA]  }
0x30: {  	s3 =	sld [smem:$0x3FAD]  }
0x31: {  	[smem:$0x3FB6] =	sst s10  }
0x32: {  	s10 =	sld [smem:$0x3FB4];
	_ =	sdelay $0x3  }
0x33: {  	p0 =	seq.s32 s10, $0x1;
	s10 =	sld [smem:$0x3FB6];
	_ =	sdelay $0x3  }
0x34: {  	[smem:$0x3FB6] =	sst s10  }
0x35: {  	s10 =	sld [smem:$0x3FB5];
	_ =	sdelay $0x3  }
0x36: {  	p1 =	seq.s32 s10, $0x1;
	s10 =	sld [smem:$0x3FB6];
	_ =	sdelay $0x3  }
0x37: {  	[smem:$0x3FB6] =	sst s10  }
0x38: {  	s10 =	sld [smem:$0x3FB7]  }
0x39: {  	_ = 	snop;
	(pc) =	sbr.ind lr, $3  }
0x3a: {  	_ = 	snop  }
0x3b: {  	_ = 	snop  }
0x3c: {  	p2 =	seq.s32 s10, $0x1;
	s10 =	sld [smem:$0x3FB6]  }
0x3d: {  	_ =	shalt  }
0x3e: {  	_ =	shalt  }
0x3f: {  	_ =	shalt  }
0x40: {  	_ =	shalt  }
0x41: {  	_ =	shalt  }
0x42: {  	_ =	shalt  }
0x43: {  	_ =	shalt  }
0x44: {  	_ =	shalt  }
0x45: {  	_ =	shalt  }
0x46: {  	_ =	shalt  }
0x47: {  	_ =	shalt  }
0x48: {  	_ =	shalt  }
0x49: {  	_ =	shalt  }
0x4a: {  	_ =	shalt  }
0x4b: {  	_ =	shalt  }
0x4c: {  	_ =	shalt  }
0x4d: {  	_ =	shalt  }
0x4e: {  	_ =	shalt  }
0x4f: {  	_ =	shalt  }
0x50: {  	_ =	shalt  }
0x51: {  	_ =	shalt  }
0x52: {  	_ =	shalt  }
0x53: {  	_ =	shalt  }
0x54: {  	_ =	shalt  }
0x55: {  	_ =	shalt  }
0x56: {  	_ =	shalt  }
0x57: {  	_ =	shalt  }
0x58: {  	_ =	shalt  }
0x59: {  	_ =	shalt  }
0x5a: {  	_ =	shalt  }
0x5b: {  	_ =	shalt  }
0x5c: {  	_ =	shalt  }
0x5d: {  	_ =	shalt  }
0x5e: {  	_ =	shalt  }
0x5f: {  	_ =	shalt  }
0x60: {  	_ =	shalt  }
0x61: {  	_ =	shalt  }
0x62: {  	_ =	shalt  }
0x63: {  	_ =	shalt  }
0x64: {  	_ =	shalt  }
0x65: {  	_ =	shalt  }
0x66: {  	_ =	shalt  }
0x67: {  	_ =	shalt  }
0x68: {  	_ =	shalt  }
0x69: {  	_ =	shalt  }
0x6a: {  	_ =	shalt  }
0x6b: {  	_ =	shalt  }
0x6c: {  	_ =	shalt  }
0x6d: {  	_ =	shalt  }
0x6e: {  	_ =	shalt  }
0x6f: {  	_ =	shalt  }
0x70: {  	_ =	shalt  }
0x71: {  	_ =	shalt  }
0x72: {  	_ =	shalt  }
0x73: {  	_ =	shalt  }
0x74: {  	_ =	shalt  }
0x75: {  	_ =	shalt  }
0x76: {  	_ =	shalt  }
0x77: {  	_ =	shalt  }
0x78: {  	_ =	shalt  }
0x79: {  	_ =	shalt  }
0x7a: {  	_ =	shalt  }
0x7b: {  	_ =	shalt  }
0x7c: {  	_ =	shalt  }
0x7d: {  	_ =	shalt  }
0x7e: {  	_ =	shalt  }
0x7f: {  	_ =	shalt  }
0x80: {  	_ =	shalt  }
0x81: {  	_ =	shalt  }
0x82: {  	_ =	shalt  }
0x83: {  	_ =	shalt  }
0x84: {  	_ =	shalt  }
0x85: {  	_ =	shalt  }
0x86: {  	_ =	shalt  }
0x87: {  	_ =	shalt  }
.Lfunc_end0:
.L_simem_size_0:
called_computation.2_lowered:
.L_overlay_start_0:
0x88: {  	s0 =	sld [smem:$0x3FD9]  }
0x89: {  	s1 =	sld [smem:$0x3FFE];
	_ =	sdelay $0x3  }
0x8a: {  	s0 =	sadd.s32 s1, s0  }
0x8b: {  	[smem:$0x3FC2] =	sst s0  }
0x8c: {  	_ = 	snop  }
0x8d: {  	s0 =	sld [smem:$0x3FD0];
	(tm) =	ssettm $0x1  }
0x8e: {  	s16 =	sld [smem:$0x3FFB];
	_ =	sdelay $0x3  }
0x8f: {  	_ =	strace s16  }
0x90: {  	s1 =	sld [smem:$0x3FFC];
	_ =	sdelay $0x3  }
0x91: {  	_ =	strace s1  }
0x92: {  	s1 =	sld [smem:$0x3FFD];
	_ =	sdelay $0x3  }
0x93: {  	_ =	strace s1  }
0x94: {  	_ =	strace $0x8FFFFFFF  }
0x95: {  	s17 =	sld [smem:$0x3FDB];
	_ =	sdelay $0x1  }
0x96: {  	s2 =	simm.s32 $_scs_section_size  }
0x97: {  	s3 =	simm.s32 $_size__tile_overlayer_lowered;
	s4 =	simm.s32 $_tile_overlayer_lowered  }
0x98: {  	s20 =	simm.s32 $0x1BFF;
	s19 =	sshll.u32 s4, $0x1;
	s1 =	sadd.s32 s2, s17  }
0x99: {  	s5 =	simm.s32 $0x0;
	s18 =	sshll.u32 s3, $0x1;
	s3 =	sadd.s32 s19, s1  }
0x9a: {  	[timem:s5], [sflag:s20] =	dma.local [hbm:s3], s18  }
0x9b: {  	_ =	swait.ge [sflag:s20], s18  }
0x9c: {  	s2 =	ssub.s32 $0x0, s18;
	[sflag:s20] =	ssyncset.done $0x0  }
0x9d: {  	[sflag:s20] =	ssyncadd.s32 s2;
	_ =	sdelay $0x1  }
0x9e: {  	s21 =	simm.s32 $0x1B8B  }
0x9f: {  	_ =	swait.ge [sflag:s21], $0x1  }
0xa0: {  	[sflag:s21] =	ssyncset.done $0x0  }
0xa1: {  	s23 =	simm.s32 $0x1B8E;
	s22 =	sld [smem:$0x3FFE];
	[sflag:s21] =	ssyncadd.s32 $0xFFFFFFFF  }
0xa2: {  	s24 =	simm.s32 $execute0_lowered;
	[smem:$0x3FD2] =	sst s23  }
0xa3: {  	s3 =	sshll.u32 s24, $0x1;
	_ =	strace $0x8000004C;
	[dreg:$0x1] =	wrdreg $0xFFFFFFFF  }
0xa4: {  	s25 =	simm.s32 $_size_execute0_lowered;
	s1 =	sadd.s32 s1, s3;
	[dreg:$0x0] =	wrdreg $0x0  }
0xa5: {  	s3 =	sshll.u32 s25, $0x1;
	[dreg:$0x2] =	wrdreg s1  }
0xa6: {  	[dreg:$0x3] =	wrdreg s3  }
0xa7: {  	[dreg:$0x4] =	wrdreg $0xC0  }
0xa8: {  	_ =	task [dreg:s5], $0x5FFFF  }
0xa9: {  	[dreg:$0x1] =	wrdreg $0xFFFFFFFF  }
0xaa: {  	[dreg:$0x0] =	wrdreg $0x60  }
0xab: {  	[dreg:$0x2] =	wrdreg s22  }
0xac: {  	[dreg:$0x3] =	wrdreg s0  }
0xad: {  	[dreg:$0x4] =	wrdreg $0x9  }
0xae: {  	_ =	task.clear_ibuf [dreg:s5], $0x5FFFF;
	_ =	strace $0x9000004C  }
0xaf: {  	s26 =	simm.s32 $0x9;
	_ =	strace $0x8000004E  }
0xb0: {  	_ =	swait.ge [sflag:s26], $0x1  }
0xb1: {  	[sflag:s26] =	ssyncadd.s32 $0xFFFFFFFF  }
0xb2: {  	_ =	strace $0x9000004E  }
0xb3: {  	_ =	sfence  }
0xb4: {  	s28 =	sld [smem:$0x0];
	_ =	sdelay $0x1  }
0xb5: {  	s29 =	srdreg.scid  }
0xb6: {  	s30 =	sshll.u32 s29, $0xD;
	s31 =	sshrl.u32 s29, $0x2  }
0xb7: {  	s2 =	sand.u32 $0x4000, s30;
	s1 =	sand.u32 $0x1, s29;
	s0 =	sadd.s32 s31, s28  }
0xb8: {  	s1 =	sor.u32 s2, s1;
	s0 =	sshll.u32 s0, $0x11  }
0xb9: {  	s0 =	sor.u32 s0, s1  }
0xba: {  	s0 =	sadd.s32 $0x8F2B, s0  }
0xbb: {  	[sflag:s0] =	ssyncadd.remote.s32 $0x1  }
0xbc: {  	_ =	sfence.sel $0xFFFF  }
0xbd: {  	[dreg:$0x0] =	wrdreg $0xFFFFFFFF;
	(pc) =	sbr.abs _section_cstart, $3  }
0xbe: {  	[dreg:$0x1] =	wrdreg $0xFFFFFFFF  }
0xbf: {  	_ =	task.clear_ibuf [dreg:s5], $0x2FFFF;
	_ =	strace $0x9FFFFFFF  }
0xc0: {  	(tm) =	ssettm $0x7FFFFFFF  }
0xc1: {  	_ =	shalt  }
tec
execute0_lowered:
.L_overlay_start_1:
0x0: {  	(tag) =	ssettag $0x1  }
0x1: {  	s0 =	stileid.u32  }
0x2: {  	s1 =	smin.u32 s0, $0x9  }
0x3: {  	s1 =	sadd.s32 s0, s1  }
0x4: {  	s2 =	simm.s32 $0x320;
	p0 =	slt.u32 s0, $0x9;
	s1 =	smul.u32 $0x190, s1  }
0x5: {  	s2 =	simm.s32 @!p0 $0x190  }
0x6: {  	s2 =	sadd.s32 s2, s1  }
0x7: {  	s3 =	smin.u32 s2, $0x2710  }
0x8: {  	s7 =	ssub.s32 s3, s1  }
0x9: {  	p0 =	sgt.s32 s7, $0x0  }
0xa: {  	s7 =	simm.s32 @!p0 $0x0  }
0xb: {  	s31 =	sand.u32 $0xFFF0, s7  }
0xc: {  	s2 =	sshrl.u32 s31, $0x4  }
0xd: {  	s9 =	rddreg [dreg:$0x0];
	s2 =	smul.u32 $0xA3E, s2  }
0xe: {  	s4 =	rddreg [dreg:$0x1];
	s6 =	simm.s32 $0x1  }
0xf: {  	s11 =	simm.s32 $0x3;
	s13 =	simm.s32 $0x0;
	s8 =	sshrl.u32 s2, $0x10  }
0x10: {  	s12 =	simm.s32 $0x0;
	s5 =	sadd.s32 $0xC00, s9;
	s10 =	smul.u32 $0x190, s8  }
.Ltmp0:
0x11: {  	s9 =	sadd.s32 $0x600, s9;
	s2 =	rddreg [dreg:$0x2];
	(pc) =	sbr.rel .LBB2_1-.Ltmp0, $4  }
0x12: {  	_ =	strace $0x8000004D;
	p0 =	sne.s32 s7, s10;
	s10 =	simm.s32 $0x1  }
0x13: {  	[sflag:s6] =	ssyncpa.u1 $0x0;
	s7 =	simm.s32 $0x2;
	s10 =	simm.s32 @!p0 $0x0  }
0x14: {  	[sflag:s7] =	ssyncpa.u1 $0x0;
	p0 =	por $0x0, $0x0;
	s8 =	sadd.s32 s8, s10  }
0x15: {  	vm0 =	vmmov $0xff;
	vm1 =	vcmask $0x3F20;
	[sflag:s11] =	ssyncpa.u1 $0x0;
	s11 =	smov.u32 s1;
	s10 =	sadd.s32 $0x1, s8  }
.LBB2_6:
0x16: {  	[hbm:s17] =	stream.linear.scatter [tilespmem:s14], [sflag:$0x3], $0x400, $0x38;
	[tilespmem:$0x19320] =	vst v63  }
.LBB2_7:
0x17: {  	s13 =	sadd.s32 $0x190, s11  }
0x18: {  	s15 =	smov.u32 s1;
	p2 =	slt.s32 s13, s3  }
0x19: {  	s15 =	smov.u32 @p2 s13;
	p2 =	sne.s32 s12, s10  }
.Ltmp1:
0x1a: {  	p1 =	slt.u32 s12, $0x2;
	(pc) =	sbr.rel @!p2 .LBB2_8-.Ltmp1, $4  }
0x1b: {  	s14 =	simm.s32 @!p1 $0x3  }
0x1c: {  	s16 =	sadd.s32 $0x1, s12;
	_ =	swait.ge @!p1 [sflag:s14], $0xC800  }
0x1d: {  	p0 =	por !p0, !p0;
	s13 =	smov.u32 s11;
	[sflag:s14] =	ssyncset.done @!p1 $0x0  }
0x1e: {  	s12 =	smov.u32 s16;
	s11 =	smov.u32 s15;
	[sflag:s14] =	ssyncadd.s32 @!p1 $0xFFFF3800  }
.LBB2_1:
0x1f: {  	p1 =	sge.u32 s12, s8  }
0x20: {  	s14 =	sxor.u32 @!p1 $0xFFFFFFFF, s12  }
0x21: {  	s14 =	sand.u32 @!p1 $0x1, s14  }
0x22: {  	s14 =	smul.u32 @!p1 $0x640, s14  }
0x23: {  	s31 =	sadd.s32 $0xFFFFFFFF, s12;
	s15 =	sshrl.u32 @!p1 s11, $0x3  }
0x24: {  	s16 =	sand.u32 @!p1 $0x7, s11;
	s15 =	sadd.s32 @!p1 s9, s15;
	s14 =	sshrl.u32 @!p1 s14, $0x2  }
0x25: {  	[tilespmem:s14], [sflag:$0x2] =	stream.linear.gather @!p1 [hbm4b:s15+s16], $0x190, $0x38;
	[tilespmem:$0x19320] =	vst v63  }
0x26: {  	p1 =	sge.u32 s31, s8  }
.Ltmp2:
0x27: {  	_ = 	snop;
	(pc) =	sbr.rel @p1 .LBB2_7-.Ltmp2, $1  }
0x28: {  	_ =	sdelay $0x3  }
0x29: {  	s14 =	simm.s32 $0x1  }
0x2a: {  	s14 =	simm.s32 @!p0 $0x0  }
0x2b: {  	s15 =	smul.u32 $0x640, s14  }
0x2c: {  	_ =	swait.ge [sflag:s7], $0x190  }
0x2d: {  	[sflag:s7] =	ssyncset.done $0x0;
	s16 =	sshrl.u32 s15, $0x2  }
0x2e: {  	[sflag:s7] =	ssyncadd.s32 $0xFFFFFE70;
	s15 =	sadd.s32 $0x0, s16  }
0x2f: {  	v0 =	vld.msk [tilespmem:s15+$0x0 ss:$0x1], $0xffff;
	_ =	sdelay $0x4  }
0x30: {  	vm2 =	vgt.s32 v0, $0x0  }
0x31: {  	v0 =	vnsel vm2, $0x0, v0  }
0x32: {  	v0 =	vmin.u32 v0, $0x270F  }
0x33: {  	v0 =	vshll.u32 v0, $0x4  }
0x34: {  	s14 =	smul.u32 $0x32000, s14;
	_ =	sdelay $0x1  }
0x35: {  	s14 =	sshrl.u32 s14, $0x2  }
0x36: {  	s14 =	sor.u32 $0x320, s14  }
0x37: {  	[tilespmem:s14], [sflag:$0x1] =	stream.indirect_vreg.gather [hbm:s5], $0x80, v0, vm0, $0x38;
	[tilespmem:$0x19320] =	vst v63  }
0x38: {  	s17 =	sadd.s32 $0x10, s16;
	s15 =	sadd.s32 $0x400, s14  }
0x39: {  	[tilespmem:s15], [sflag:$0x1] =	stream.indirect_vreg.gather [hbm:s5], $0x80, v0, vm1, $0x38;
	[tilespmem:$0x19320] =	vst v63  }
0x3a: {  	s18 =	simm.s32 $0x80;
	v0 =	vld.msk [tilespmem:s17+$0x0 ss:$0x1], $0xffff;
	s17 =	smov.u32 s14  }
.LBB2_3:
0x3b: {  	p1 =	sne.s32 s18, $0x600;
	_ =	sdelay $0x4  }
0x3c: {  	vm2 =	vgt.s32 v0, $0x0  }
0x3d: {  	v0 =	vnsel vm2, $0x0, v0  }
0x3e: {  	v0 =	vmin.u32 v0, $0x270F  }
0x3f: {  	v0 =	vshll.u32 v0, $0x4;
	_ =	sdelay $0x3  }
.Ltmp3:
0x40: {  	s19 =	sshra.s32 s18, $0x2;
	s17 =	sadd.s32 $0x800, s17;
	(pc) =	sbr.rel @p1 .LBB2_3-.Ltmp3, $4  }
0x41: {  	[tilespmem:s17], [sflag:$0x1] =	stream.indirect_vreg.gather [hbm:s5], $0x80, v0, vm0, $0x38;
	[tilespmem:$0x19320] =	vst v63  }
0x42: {  	s19 =	sadd.s32 s19, s16;
	s20 =	sadd.s32 $0x400, s17  }
0x43: {  	[tilespmem:s20], [sflag:$0x1] =	stream.indirect_vreg.gather [hbm:s5], $0x80, v0, vm1, $0x38;
	[tilespmem:$0x19320] =	vst v63  }
0x44: {  	s18 =	sadd.s32 $0x40, s18;
	v0 =	vld.msk [tilespmem:s19+$0x0 ss:$0x1], $0xffff  }
0x45: {  	_ =	sdelay $0x3  }
0x46: {  	vm2 =	vgt.s32 v0, $0x0  }
0x47: {  	v0 =	vnsel vm2, $0x0, v0  }
0x48: {  	v0 =	vmin.u32 v0, $0x270F  }
0x49: {  	v0 =	vshll.u32 v0, $0x4;
	_ =	sdelay $0x3  }
0x4a: {  	s16 =	sadd.s32 $0x800, s17  }
0x4b: {  	[tilespmem:s16], [sflag:$0x1] =	stream.indirect_vreg.gather [hbm:s5], $0x80, v0, vm0, $0x38;
	[tilespmem:$0x19320] =	vst v63  }
0x4c: {  	s16 =	sadd.s32 $0x400, s16  }
0x4d: {  	[tilespmem:s16], [sflag:$0x1] =	stream.indirect_vreg.gather [hbm:s5], $0x80, v0, vm1, $0x38;
	[tilespmem:$0x19320] =	vst v63  }
0x4e: {  	s13 =	sshll.u32 s13, $0x4;
	_ =	swait.ge [sflag:s6], $0xC800  }
0x4f: {  	s13 =	sadd.s32 s13, s4;
	[sflag:s6] =	ssyncset.done $0x0  }
0x50: {  	s17 =	sadd.s32 $0x0, s13;
	s16 =	simm.s32 $0x80;
	[sflag:s6] =	ssyncadd.s32 $0xFFFF3800  }
.LBB2_5:
0x51: {  	[hbm:s17] =	stream.linear.scatter [tilespmem:s14], [sflag:$0x3], $0x400, $0x38;
	[tilespmem:$0x19320] =	vst v63  }
0x52: {  	s17 =	smov.u32 s16;
	s14 =	smov.u32 s15;
	p1 =	sne.s32 s16, $0x1880  }
.Ltmp4:
0x53: {  	s16 =	sadd.s32 $0x80, s16;
	(pc) =	sbr.rel @p1 .LBB2_5-.Ltmp4, $2  }
0x54: {  	_ =	sdelay $0x2  }
0x55: {  	s15 =	sadd.s32 $0x400, s15;
	s17 =	sadd.s32 s17, s13  }
.Ltmp5:
0x56: {  	_ = 	snop;
	(pc) =	sbr.rel .LBB2_6-.Ltmp5, $1  }
0x57: {  	_ =	sdelay $0x3  }
.LBB2_8:
0x58: {  	_ =	sfence.sel $0x180000  }
0x59: {  	s1 =	simm.s32 $0x2;
	[bflag:$0x0] =	sbarrier.arrive $0xFFFF  }
0x5a: {  	s30 =	simm.s32 $0x3;
	[sflag:s1] =	ssyncpa.u1 $0x1  }
0x5b: {  	s31 =	simm.s32 $0x1;
	[sflag:s30] =	ssyncpa.u1 $0x1  }
0x5c: {  	[sflag:s31] =	ssyncpa.u1 $0x1  }
0x5d: {  	p0 =	sne.s32 s0, $0x0;
	_ =	strace $0x9000004D  }
0x5e: {  	s0 =	sadd.s32 @!p0 $0x100000, s2;
	[bflag:$0x2] =	sbarrier.arrive $0xFFFF  }
0x5f: {  	[sflag:s0] =	ssyncadd.tile.s32 @!p0 $0x1;
	_ =	shalt  }
.Lfunc_end2:
_tile_overlayer_lowered:
.L_overlay_start_2:
0x60: {  	(tag) =	ssettag $0x2  }
0x61: {  	s0 =	rddreg [dreg:$0x0];
	s2 =	stileid.u32  }
0x62: {  	s1 =	rddreg [dreg:$0x1];
	p0 =	sne.s32 s2, $0x0  }
0x63: {  	s3 =	rddreg [dreg:$0x2];
	[bflag:$0x3] =	sbarrier.arrive $0xFFFF;
	s2 =	simm.s32 @!p0 $0x1C01  }
0x64: {  	[timem:s3], [sflag:s2] =	dma.local @!p0 [hbm:s0], s1  }
0x65: {  	s0 =	simm.s32 @!p0 $0x1  }
0x66: {  	_ =	swait.ge @!p0 [sflag:s0], s1  }
0x67: {  	s1 =	ssub.s32 @!p0 $0x0, s1;
	[sflag:s0] =	ssyncset.done @!p0 $0x0  }
0x68: {  	[sflag:s0] =	ssyncadd.s32 @!p0 s1  }
0x69: {  	[bflag:$0x3] =	sbarrier.arrive $0xFFFF  }
0x6a: {  	_ =	shalt  }

// kernel: gather_offload_async_start
scs
__scs_entry_jumppad:
0x0: {  	(pc) =	sbr.rel $0x88, $3  }
0x1: {  	(tag) =	ssettag $0x0;
	lr =	simm.s32 $0x1  }
0x2: {  	[smem:$0x3F9B] =	sst lr;
	_ =	strace $0xD0000000  }
0x3: {  	_ = 	snop  }
0x4: {  	_ = 	snop  }
0x5: {  	_ = 	snop  }
0x6: {  	_ = 	snop  }
0x7: {  	_ = 	snop  }
__scs_overlays_trampoline_lowered:
0x8: {  	[smem:$0x3FAA] =	sst s0  }
0x9: {  	[smem:$0x3FAB] =	sst s1  }
0xa: {  	[smem:$0x3FAC] =	sst s2  }
0xb: {  	[smem:$0x3FAD] =	sst s3  }
0xc: {  	[smem:$0x3FAE] =	sst s4  }
0xd: {  	[smem:$0x3FAF] =	sst s5  }
0xe: {  	[smem:$0x3FB0] =	sst s6  }
0xf: {  	[smem:$0x3FB1] =	sst s7  }
0x10: {  	[smem:$0x3FB2] =	sst s8  }
0x11: {  	[smem:$0x3FB3] =	sst s9;
	s0 =	simm.s32 @!p0 $0x0  }
0x12: {  	s1 =	sld [smem:$0x3F99];
	s0 =	simm.s32 @p0 $0x1  }
0x13: {  	[smem:$0x3FB4] =	sst s0;
	s0 =	simm.s32 @!p1 $0x0  }
0x14: {  	s2 =	sld [smem:$0x3F98];
	s0 =	simm.s32 @p1 $0x1  }
0x15: {  	[smem:$0x3FB5] =	sst s0;
	s0 =	simm.s32 @!p2 $0x0  }
0x16: {  	s3 =	sld [smem:$0x3FDB];
	s0 =	simm.s32 @p2 $0x1  }
0x17: {  	s4 =	simm.s32 $0x1BF5;
	[smem:$0x3FB7] =	sst s0  }
0x18: {  	s0 =	sld [smem:$0x3F9A];
	_ =	swait.ge [sflag:s4], $0x0  }
0x19: {  	s7 =	sld [smem:$0x3F9B]  }
0x1a: {  	s8 =	sadd.s32 $0xFFFFE003, lr  }
0x1b: {  	s9 =	sadd.s32 $0xFFFFFEF7, lr;
	s5 =	simm.s32 $0xFFFFFFFF;
	p2 =	slt.u32 s8, $0xFFFFF086  }
0x1c: {  	p1 =	slt.u32 s9, $0xF7A;
	s5 =	simm.s32 @!p2 $0x0  }
0x1d: {  	s5 =	simm.s32 @p1 $0x1;
	p0 =	seq.s32 s7, s2  }
0x1e: {  	s7 =	smul.u32 @!p0 $0xF7A, s2;
	p2 =	seq.s32 @!p0 s5, $0x0  }
0x1f: {  	s9 =	smul.u32 $0xF7A, s1;
	s8 =	simm.s32 @!p0 $0x1BF5;
	p2 =	por !p2, p0  }
0x20: {  	[sflag:s8] =	ssyncset.s32 @!p0 $0xFFFFF086;
	s6 =	sadd.s32 @!p0 s3, s7;
	s7 =	simm.s32 @!p0 $0x108  }
0x21: {  	s3 =	sadd.s32 s3, s9;
	s6 =	sadd.s32 @!p0 $0x88, s6;
	s7 =	simm.s32 @p2 $0x1082  }
0x22: {  	[simem:s7], [sflag:s8] =	dma.local @!p0 [hbm:s6], $0xF7A  }
0x23: {  	s9 =	sor.u32 $0xD0000000, s2;
	s6 =	simm.s32 $0x108;
	_ =	swait.ge @!p0 [sflag:s8], $0x0  }
0x24: {  	s3 =	sadd.s32 $0x88, s3;
	s6 =	simm.s32 @!p1 $0x1082;
	[sflag:s4] =	ssyncset.s32 $0xFFFFF086  }
0x25: {  	[simem:s6], [sflag:s4] =	dma.local [hbm:s3], $0xF7A  }
0x26: {  	[smem:$0x3F9B] =	sst s1;
	(tag) =	ssettag s2;
	_ =	strace s9  }
0x27: {  	s1 =	sld [smem:$0x3FAB]  }
0x28: {  	s2 =	sld [smem:$0x3FAC]  }
0x29: {  	s4 =	sld [smem:$0x3FAE]  }
0x2a: {  	p0 =	seq.s32 s5, $0x0;
	s5 =	sld [smem:$0x3FAF]  }
0x2b: {  	s6 =	sld [smem:$0x3FB0]  }
0x2c: {  	s7 =	sld [smem:$0x3FB1]  }
0x2d: {  	s3 =	simm.s32 $0x108;
	s8 =	sld [smem:$0x3FB2]  }
0x2e: {  	s3 =	simm.s32 @!p0 $0x1082;
	s9 =	sld [smem:$0x3FB3]  }
0x2f: {  	lr =	sadd.s32 s0, s3;
	s0 =	sld [smem:$0x3FAA]  }
0x30: {  	s3 =	sld [smem:$0x3FAD]  }
0x31: {  	[smem:$0x3FB6] =	sst s10  }
0x32: {  	s10 =	sld [smem:$0x3FB4];
	_ =	sdelay $0x3  }
0x33: {  	p0 =	seq.s32 s10, $0x1;
	s10 =	sld [smem:$0x3FB6];
	_ =	sdelay $0x3  }
0x34: {  	[smem:$0x3FB6] =	sst s10  }
0x35: {  	s10 =	sld [smem:$0x3FB5];
	_ =	sdelay $0x3  }
0x36: {  	p1 =	seq.s32 s10, $0x1;
	s10 =	sld [smem:$0x3FB6];
	_ =	sdelay $0x3  }
0x37: {  	[smem:$0x3FB6] =	sst s10  }
0x38: {  	s10 =	sld [smem:$0x3FB7]  }
0x39: {  	_ = 	snop;
	(pc) =	sbr.ind lr, $3  }
0x3a: {  	_ = 	snop  }
0x3b: {  	_ = 	snop  }
0x3c: {  	p2 =	seq.s32 s10, $0x1;
	s10 =	sld [smem:$0x3FB6]  }
0x3d: {  	_ =	shalt  }
0x3e: {  	_ =	shalt  }
0x3f: {  	_ =	shalt  }
0x40: {  	_ =	shalt  }
0x41: {  	_ =	shalt  }
0x42: {  	_ =	shalt  }
0x43: {  	_ =	shalt  }
0x44: {  	_ =	shalt  }
0x45: {  	_ =	shalt  }
0x46: {  	_ =	shalt  }
0x47: {  	_ =	shalt  }
0x48: {  	_ =	shalt  }
0x49: {  	_ =	shalt  }
0x4a: {  	_ =	shalt  }
0x4b: {  	_ =	shalt  }
0x4c: {  	_ =	shalt  }
0x4d: {  	_ =	shalt  }
0x4e: {  	_ =	shalt  }
0x4f: {  	_ =	shalt  }
0x50: {  	_ =	shalt  }
0x51: {  	_ =	shalt  }
0x52: {  	_ =	shalt  }
0x53: {  	_ =	shalt  }
0x54: {  	_ =	shalt  }
0x55: {  	_ =	shalt  }
0x56: {  	_ =	shalt  }
0x57: {  	_ =	shalt  }
0x58: {  	_ =	shalt  }
0x59: {  	_ =	shalt  }
0x5a: {  	_ =	shalt  }
0x5b: {  	_ =	shalt  }
0x5c: {  	_ =	shalt  }
0x5d: {  	_ =	shalt  }
0x5e: {  	_ =	shalt  }
0x5f: {  	_ =	shalt  }
0x60: {  	_ =	shalt  }
0x61: {  	_ =	shalt  }
0x62: {  	_ =	shalt  }
0x63: {  	_ =	shalt  }
0x64: {  	_ =	shalt  }
0x65: {  	_ =	shalt  }
0x66: {  	_ =	shalt  }
0x67: {  	_ =	shalt  }
0x68: {  	_ =	shalt  }
0x69: {  	_ =	shalt  }
0x6a: {  	_ =	shalt  }
0x6b: {  	_ =	shalt  }
0x6c: {  	_ =	shalt  }
0x6d: {  	_ =	shalt  }
0x6e: {  	_ =	shalt  }
0x6f: {  	_ =	shalt  }
0x70: {  	_ =	shalt  }
0x71: {  	_ =	shalt  }
0x72: {  	_ =	shalt  }
0x73: {  	_ =	shalt  }
0x74: {  	_ =	shalt  }
0x75: {  	_ =	shalt  }
0x76: {  	_ =	shalt  }
0x77: {  	_ =	shalt  }
0x78: {  	_ =	shalt  }
0x79: {  	_ =	shalt  }
0x7a: {  	_ =	shalt  }
0x7b: {  	_ =	shalt  }
0x7c: {  	_ =	shalt  }
0x7d: {  	_ =	shalt  }
0x7e: {  	_ =	shalt  }
0x7f: {  	_ =	shalt  }
0x80: {  	_ =	shalt  }
0x81: {  	_ =	shalt  }
0x82: {  	_ =	shalt  }
0x83: {  	_ =	shalt  }
0x84: {  	_ =	shalt  }
0x85: {  	_ =	shalt  }
0x86: {  	_ =	shalt  }
0x87: {  	_ =	shalt  }
.Lfunc_end0:
.L_simem_size_0:
called_computation_lowered:
.L_overlay_start_0:
0x88: {  	s0 =	sld [smem:$0x3FD9]  }
0x89: {  	s1 =	sld [smem:$0x3FFE];
	_ =	sdelay $0x3  }
0x8a: {  	s0 =	sadd.s32 s1, s0  }
0x8b: {  	[smem:$0x3FC2] =	sst s0  }
0x8c: {  	_ = 	snop  }
0x8d: {  	s0 =	sld [smem:$0x3FC9]  }
0x8e: {  	s16 =	sld [smem:$0x3FD0];
	(tm) =	ssettm $0x1  }
0x8f: {  	s2 =	sld [smem:$0x3FFB];
	_ =	sdelay $0x3  }
0x90: {  	_ =	strace s2  }
0x91: {  	s2 =	sld [smem:$0x3FFC];
	_ =	sdelay $0x3  }
0x92: {  	_ =	strace s2  }
0x93: {  	s2 =	sld [smem:$0x3FFD];
	_ =	sdelay $0x3  }
0x94: {  	_ =	strace s2  }
0x95: {  	_ =	strace $0x8FFFFFFF  }
0x96: {  	s17 =	sld [smem:$0x3FDB];
	_ =	sdelay $0x1  }
0x97: {  	s3 =	simm.s32 $_scs_section_size  }
0x98: {  	s4 =	simm.s32 $_size__tile_overlayer_lowered;
	s5 =	simm.s32 $_tile_overlayer_lowered  }
0x99: {  	s20 =	simm.s32 $0x1BFF;
	s19 =	sshll.u32 s5, $0x1;
	s2 =	sadd.s32 s3, s17  }
0x9a: {  	s6 =	simm.s32 $0x0;
	s18 =	sshll.u32 s4, $0x1;
	s4 =	sadd.s32 s19, s2  }
0x9b: {  	[timem:s6], [sflag:s20] =	dma.local [hbm:s4], s18  }
0x9c: {  	_ =	swait.ge [sflag:s20], s18  }
0x9d: {  	s3 =	ssub.s32 $0x0, s18;
	[sflag:s20] =	ssyncset.done $0x0  }
0x9e: {  	[sflag:s20] =	ssyncadd.s32 s3;
	_ =	sdelay $0x1  }
0x9f: {  	s21 =	simm.s32 $0x1B8B  }
0xa0: {  	_ =	swait.ge [sflag:s21], $0x1  }
0xa1: {  	[sflag:s21] =	ssyncset.done $0x0  }
0xa2: {  	s23 =	simm.s32 $0x1B8E;
	s22 =	sld [smem:$0x3FFE];
	[sflag:s21] =	ssyncadd.s32 $0xFFFFFFFF  }
0xa3: {  	s24 =	simm.s32 $execute0_lowered;
	[smem:$0x3FD2] =	sst s23  }
0xa4: {  	s4 =	sshll.u32 s24, $0x1;
	_ =	strace $0x80000049;
	[dreg:$0x1] =	wrdreg $0xFFFFFFFF  }
0xa5: {  	s25 =	simm.s32 $_size_execute0_lowered;
	s2 =	sadd.s32 s2, s4;
	[dreg:$0x0] =	wrdreg $0x0  }
0xa6: {  	s4 =	sshll.u32 s25, $0x1;
	[dreg:$0x2] =	wrdreg s2  }
0xa7: {  	[dreg:$0x3] =	wrdreg s4  }
0xa8: {  	[dreg:$0x4] =	wrdreg $0xC0  }
0xa9: {  	_ =	task [dreg:s6], $0x5FFFF  }
0xaa: {  	[dreg:$0x1] =	wrdreg $0xFFFFFFFF  }
0xab: {  	[dreg:$0x0] =	wrdreg $0x60  }
0xac: {  	[dreg:$0x2] =	wrdreg s0  }
0xad: {  	[dreg:$0x3] =	wrdreg s22  }
0xae: {  	[dreg:$0x4] =	wrdreg s16  }
0xaf: {  	[dreg:$0x5] =	wrdreg $0x9  }
0xb0: {  	_ =	task.clear_ibuf [dreg:s6], $0x6FFFF;
	_ =	strace $0x90000049  }
0xb1: {  	s26 =	simm.s32 $0x9;
	_ =	strace $0x8000004B  }
0xb2: {  	_ =	swait.ge [sflag:s26], $0x1  }
0xb3: {  	[sflag:s26] =	ssyncadd.s32 $0xFFFFFFFF  }
0xb4: {  	_ =	strace $0x9000004B  }
0xb5: {  	_ =	sfence  }
0xb6: {  	s28 =	sld [smem:$0x0];
	_ =	sdelay $0x1  }
0xb7: {  	s29 =	srdreg.scid  }
0xb8: {  	s30 =	sshll.u32 s29, $0xD;
	s31 =	sshrl.u32 s29, $0x2  }
0xb9: {  	s1 =	sand.u32 $0x1, s29;
	s2 =	sand.u32 $0x4000, s30;
	s0 =	sadd.s32 s31, s28  }
0xba: {  	s1 =	sor.u32 s2, s1;
	s0 =	sshll.u32 s0, $0x11  }
0xbb: {  	s0 =	sor.u32 s0, s1  }
0xbc: {  	s0 =	sadd.s32 $0x8F2B, s0  }
0xbd: {  	[sflag:s0] =	ssyncadd.remote.s32 $0x1  }
0xbe: {  	_ =	sfence.sel $0xFFFF  }
0xbf: {  	[dreg:$0x0] =	wrdreg $0xFFFFFFFF;
	(pc) =	sbr.abs _section_cstart, $3  }
0xc0: {  	[dreg:$0x1] =	wrdreg $0xFFFFFFFF  }
0xc1: {  	_ =	task.clear_ibuf [dreg:s6], $0x2FFFF;
	_ =	strace $0x9FFFFFFF  }
0xc2: {  	(tm) =	ssettm $0x7FFFFFFF  }
0xc3: {  	_ =	shalt  }
tec
execute0_lowered:
.L_overlay_start_1:
0x0: {  	(tag) =	ssettag $0x1  }
0x1: {  	s0 =	stileid.u32  }
0x2: {  	s1 =	smin.u32 s0, $0x9  }
0x3: {  	s1 =	sadd.s32 s0, s1  }
0x4: {  	s2 =	simm.s32 $0x320;
	p0 =	slt.u32 s0, $0x9;
	s1 =	smul.u32 $0x190, s1  }
0x5: {  	s2 =	simm.s32 @!p0 $0x190  }
0x6: {  	s2 =	sadd.s32 s2, s1  }
0x7: {  	s3 =	smin.u32 s2, $0x2710  }
0x8: {  	s8 =	ssub.s32 s3, s1  }
0x9: {  	p0 =	sgt.s32 s8, $0x0  }
0xa: {  	s8 =	simm.s32 @!p0 $0x0  }
0xb: {  	s31 =	sand.u32 $0xFFF0, s8  }
0xc: {  	s2 =	sshrl.u32 s31, $0x4  }
0xd: {  	s4 =	rddreg [dreg:$0x0];
	s2 =	smul.u32 $0xA3E, s2  }
0xe: {  	s5 =	rddreg [dreg:$0x1]  }
0xf: {  	s6 =	rddreg [dreg:$0x2];
	s7 =	simm.s32 $0x1;
	s9 =	sshrl.u32 s2, $0x10  }
0x10: {  	s11 =	simm.s32 $0x3;
	s13 =	simm.s32 $0x0;
	s10 =	smul.u32 $0x190, s9  }
.Ltmp0:
0x11: {  	s12 =	simm.s32 $0x0;
	s2 =	rddreg [dreg:$0x3];
	(pc) =	sbr.rel .LBB2_1-.Ltmp0, $4  }
0x12: {  	_ =	strace $0x8000004A;
	p0 =	sne.s32 s8, s10;
	s10 =	simm.s32 $0x1  }
0x13: {  	[sflag:s7] =	ssyncpa.u1 $0x0;
	s8 =	simm.s32 $0x2;
	s10 =	simm.s32 @!p0 $0x0  }
0x14: {  	[sflag:s8] =	ssyncpa.u1 $0x0;
	p0 =	por $0x0, $0x0;
	s9 =	sadd.s32 s9, s10  }
0x15: {  	vm0 =	vmmov $0xff;
	vm1 =	vcmask $0x3F20;
	[sflag:s11] =	ssyncpa.u1 $0x0;
	s11 =	smov.u32 s1;
	s10 =	sadd.s32 $0x1, s9  }
.LBB2_6:
0x16: {  	[hbm:s17] =	stream.linear.scatter [tilespmem:s14], [sflag:$0x3], $0x400, $0x38;
	[tilespmem:$0x19320] =	vst v63  }
.LBB2_7:
0x17: {  	s13 =	sadd.s32 $0x190, s11  }
0x18: {  	s15 =	smov.u32 s1;
	p2 =	slt.s32 s13, s3  }
0x19: {  	s15 =	smov.u32 @p2 s13;
	p2 =	sne.s32 s12, s10  }
.Ltmp1:
0x1a: {  	p1 =	slt.u32 s12, $0x2;
	(pc) =	sbr.rel @!p2 .LBB2_8-.Ltmp1, $4  }
0x1b: {  	s14 =	simm.s32 @!p1 $0x3  }
0x1c: {  	s16 =	sadd.s32 $0x1, s12;
	_ =	swait.ge @!p1 [sflag:s14], $0xC800  }
0x1d: {  	p0 =	por !p0, !p0;
	s13 =	smov.u32 s11;
	[sflag:s14] =	ssyncset.done @!p1 $0x0  }
0x1e: {  	s12 =	smov.u32 s16;
	s11 =	smov.u32 s15;
	[sflag:s14] =	ssyncadd.s32 @!p1 $0xFFFF3800  }
.LBB2_1:
0x1f: {  	p1 =	sge.u32 s12, s9  }
0x20: {  	s14 =	sxor.u32 @!p1 $0xFFFFFFFF, s12  }
0x21: {  	s14 =	sand.u32 @!p1 $0x1, s14  }
0x22: {  	s14 =	smul.u32 @!p1 $0x640, s14  }
0x23: {  	s31 =	sadd.s32 $0xFFFFFFFF, s12;
	s15 =	sshrl.u32 @!p1 s11, $0x3  }
0x24: {  	s16 =	sand.u32 @!p1 $0x7, s11;
	s15 =	sadd.s32 @!p1 s5, s15;
	s14 =	sshrl.u32 @!p1 s14, $0x2  }
0x25: {  	[tilespmem:s14], [sflag:$0x2] =	stream.linear.gather @!p1 [hbm4b:s15+s16], $0x190, $0x38;
	[tilespmem:$0x19320] =	vst v63  }
0x26: {  	p1 =	sge.u32 s31, s9  }
.Ltmp2:
0x27: {  	_ = 	snop;
	(pc) =	sbr.rel @p1 .LBB2_7-.Ltmp2, $1  }
0x28: {  	_ =	sdelay $0x3  }
0x29: {  	s14 =	simm.s32 $0x1  }
0x2a: {  	s14 =	simm.s32 @!p0 $0x0  }
0x2b: {  	s15 =	smul.u32 $0x640, s14  }
0x2c: {  	_ =	swait.ge [sflag:s8], $0x190  }
0x2d: {  	[sflag:s8] =	ssyncset.done $0x0;
	s16 =	sshrl.u32 s15, $0x2  }
0x2e: {  	[sflag:s8] =	ssyncadd.s32 $0xFFFFFE70;
	s15 =	sadd.s32 $0x0, s16  }
0x2f: {  	v0 =	vld.msk [tilespmem:s15+$0x0 ss:$0x1], $0xffff;
	_ =	sdelay $0x4  }
0x30: {  	vm2 =	vgt.s32 v0, $0x0  }
0x31: {  	v0 =	vnsel vm2, $0x0, v0  }
0x32: {  	v0 =	vmin.u32 v0, $0x270F  }
0x33: {  	v0 =	vshll.u32 v0, $0x4  }
0x34: {  	s14 =	smul.u32 $0x32000, s14;
	_ =	sdelay $0x1  }
0x35: {  	s14 =	sshrl.u32 s14, $0x2  }
0x36: {  	s14 =	sor.u32 $0x320, s14  }
0x37: {  	[tilespmem:s14], [sflag:$0x1] =	stream.indirect_vreg.gather [hbm:s4], $0x80, v0, vm0, $0x38;
	[tilespmem:$0x19320] =	vst v63  }
0x38: {  	s17 =	sadd.s32 $0x10, s16;
	s15 =	sadd.s32 $0x400, s14  }
0x39: {  	[tilespmem:s15], [sflag:$0x1] =	stream.indirect_vreg.gather [hbm:s4], $0x80, v0, vm1, $0x38;
	[tilespmem:$0x19320] =	vst v63  }
0x3a: {  	s18 =	simm.s32 $0x80;
	v0 =	vld.msk [tilespmem:s17+$0x0 ss:$0x1], $0xffff;
	s17 =	smov.u32 s14  }
.LBB2_3:
0x3b: {  	p1 =	sne.s32 s18, $0x600;
	_ =	sdelay $0x4  }
0x3c: {  	vm2 =	vgt.s32 v0, $0x0  }
0x3d: {  	v0 =	vnsel vm2, $0x0, v0  }
0x3e: {  	v0 =	vmin.u32 v0, $0x270F  }
0x3f: {  	v0 =	vshll.u32 v0, $0x4;
	_ =	sdelay $0x3  }
.Ltmp3:
0x40: {  	s19 =	sshra.s32 s18, $0x2;
	s17 =	sadd.s32 $0x800, s17;
	(pc) =	sbr.rel @p1 .LBB2_3-.Ltmp3, $4  }
0x41: {  	[tilespmem:s17], [sflag:$0x1] =	stream.indirect_vreg.gather [hbm:s4], $0x80, v0, vm0, $0x38;
	[tilespmem:$0x19320] =	vst v63  }
0x42: {  	s19 =	sadd.s32 s19, s16;
	s20 =	sadd.s32 $0x400, s17  }
0x43: {  	[tilespmem:s20], [sflag:$0x1] =	stream.indirect_vreg.gather [hbm:s4], $0x80, v0, vm1, $0x38;
	[tilespmem:$0x19320] =	vst v63  }
0x44: {  	s18 =	sadd.s32 $0x40, s18;
	v0 =	vld.msk [tilespmem:s19+$0x0 ss:$0x1], $0xffff  }
0x45: {  	_ =	sdelay $0x3  }
0x46: {  	vm2 =	vgt.s32 v0, $0x0  }
0x47: {  	v0 =	vnsel vm2, $0x0, v0  }
0x48: {  	v0 =	vmin.u32 v0, $0x270F  }
0x49: {  	v0 =	vshll.u32 v0, $0x4;
	_ =	sdelay $0x3  }
0x4a: {  	s16 =	sadd.s32 $0x800, s17  }
0x4b: {  	[tilespmem:s16], [sflag:$0x1] =	stream.indirect_vreg.gather [hbm:s4], $0x80, v0, vm0, $0x38;
	[tilespmem:$0x19320] =	vst v63  }
0x4c: {  	s16 =	sadd.s32 $0x400, s16  }
0x4d: {  	[tilespmem:s16], [sflag:$0x1] =	stream.indirect_vreg.gather [hbm:s4], $0x80, v0, vm1, $0x38;
	[tilespmem:$0x19320] =	vst v63  }
0x4e: {  	s13 =	sshll.u32 s13, $0x4;
	_ =	swait.ge [sflag:s7], $0xC800  }
0x4f: {  	s13 =	sadd.s32 s13, s6;
	[sflag:s7] =	ssyncset.done $0x0  }
0x50: {  	s17 =	sadd.s32 $0x0, s13;
	s16 =	simm.s32 $0x80;
	[sflag:s7] =	ssyncadd.s32 $0xFFFF3800  }
.LBB2_5:
0x51: {  	[hbm:s17] =	stream.linear.scatter [tilespmem:s14], [sflag:$0x3], $0x400, $0x38;
	[tilespmem:$0x19320] =	vst v63  }
0x52: {  	s17 =	smov.u32 s16;
	s14 =	smov.u32 s15;
	p1 =	sne.s32 s16, $0x1880  }
.Ltmp4:
0x53: {  	s16 =	sadd.s32 $0x80, s16;
	(pc) =	sbr.rel @p1 .LBB2_5-.Ltmp4, $2  }
0x54: {  	_ =	sdelay $0x2  }
0x55: {  	s15 =	sadd.s32 $0x400, s15;
	s17 =	sadd.s32 s17, s13  }
.Ltmp5:
0x56: {  	_ = 	snop;
	(pc) =	sbr.rel .LBB2_6-.Ltmp5, $1  }
0x57: {  	_ =	sdelay $0x3  }
.LBB2_8:
0x58: {  	_ =	sfence.sel $0x180000  }
0x59: {  	s1 =	simm.s32 $0x2;
	[bflag:$0x0] =	sbarrier.arrive $0xFFFF  }
0x5a: {  	s30 =	simm.s32 $0x3;
	[sflag:s1] =	ssyncpa.u1 $0x1  }
0x5b: {  	s31 =	simm.s32 $0x1;
	[sflag:s30] =	ssyncpa.u1 $0x1  }
0x5c: {  	[sflag:s31] =	ssyncpa.u1 $0x1  }
0x5d: {  	p0 =	sne.s32 s0, $0x0;
	_ =	strace $0x9000004A  }
0x5e: {  	s0 =	sadd.s32 @!p0 $0x100000, s2;
	[bflag:$0x2] =	sbarrier.arrive $0xFFFF  }
0x5f: {  	[sflag:s0] =	ssyncadd.tile.s32 @!p0 $0x1;
	_ =	shalt  }
.Lfunc_end2:
_tile_overlayer_lowered:
.L_overlay_start_2:
0x60: {  	(tag) =	ssettag $0x2  }
0x61: {  	s0 =	rddreg [dreg:$0x0];
	s2 =	stileid.u32  }
0x62: {  	s1 =	rddreg [dreg:$0x1];
	p0 =	sne.s32 s2, $0x0  }
0x63: {  	s3 =	rddreg [dreg:$0x2];
	[bflag:$0x3] =	sbarrier.arrive $0xFFFF;
	s2 =	simm.s32 @!p0 $0x1C01  }
0x64: {  	[timem:s3], [sflag:s2] =	dma.local @!p0 [hbm:s0], s1  }
0x65: {  	s0 =	simm.s32 @!p0 $0x1  }
0x66: {  	_ =	swait.ge @!p0 [sflag:s0], s1  }
0x67: {  	s1 =	ssub.s32 @!p0 $0x0, s1;
	[sflag:s0] =	ssyncset.done @!p0 $0x0  }
0x68: {  	[sflag:s0] =	ssyncadd.s32 @!p0 s1  }
0x69: {  	[bflag:$0x3] =	sbarrier.arrive $0xFFFF  }
0x6a: {  	_ =	shalt  }

</sc_bundles>
